<compile_context>
chip_gen: v7x
topology: tpu7x:2x2x1
jax: 0.10.2.dev20260603
libtpu: 0.0.44.dev20260713+nightly
codegen_flags: <defaults>
</compile_context>

<pallas_src>
import functools

import jax
import jax.numpy as jnp
from jax import lax
from jax.experimental import pallas as pl
from jax.experimental.pallas import tpu as pltpu
from jax.experimental.pallas import tpu_sc as plsc

N = 200000
NUM_SAMPLES = 256
NUM_POS = 128
NC, NS, L = 2, 16, 16
NW = NC * NS
C = 6256
C_LAST = N - (NW - 1) * C
STEPS = C // L
STEPS_LAST = C_LAST // L

import numpy as np

def _sampling_bits():
    try:
        dev = jax.local_devices(backend="cpu")[0]
    except Exception:
        dev = None
    import contextlib
    ctx = jax.default_device(dev) if dev is not None else contextlib.nullcontext()
    with ctx:
        ka, kb = jax.random.split(jax.random.key(42))
        out = []
        for key, cnt in ((ka, NUM_POS), (kb, NUM_SAMPLES - NUM_POS)):
            k1, k2 = jax.random.split(key)
            out.append(np.asarray(jax.random.bits(k1, (cnt,), jnp.uint32)))
            out.append(np.asarray(jax.random.bits(k2, (cnt,), jnp.uint32)))
    return out

_HI_P, _LO_P, _HI_N, _LO_N = _sampling_bits()


def _randint_from_bits(hi, lo, n):
    span = jnp.where(n <= 0, 1, n).astype(jnp.uint32)
    m = jnp.uint32(2 ** 16) % span
    mult = (m * m) % span
    off = ((jnp.asarray(hi) % span) * mult + (jnp.asarray(lo) % span)) % span
    return off.astype(jnp.int32)


_MESH = plsc.VectorSubcoreMesh(
    core_axis_name="c", subcore_axis_name="s", num_cores=NC, num_subcores=NS
)


@functools.partial(
    pl.kernel,
    out_type=(
        jax.ShapeDtypeStruct((2 * NW * C,), jnp.int32),
        jax.ShapeDtypeStruct((NW, 16), jnp.int32),
    ),
    mesh=_MESH,
    compiler_params=pltpu.CompilerParams(needs_layout_passes=False),
    scratch_types=(
        pltpu.VMEM((C,), jnp.int32),
        pltpu.VMEM((C + L,), jnp.int32),
        pltpu.VMEM((C + L,), jnp.int32),
        pltpu.VMEM((16,), jnp.int32),
    ),
)
def _compact_kernel(labels_hbm, compact_out, counts_out, lab_v, pos_v, neg_v, cnt_v):
    wid = lax.axis_index("s") * NC + lax.axis_index("c")
    base = wid * C
    is_last = wid == NW - 1

    @pl.when(jnp.logical_not(is_last))
    def _():
        pltpu.sync_copy(labels_hbm.at[pl.ds(base, C)], lab_v.at[pl.ds(0, C)])

    @pl.when(is_last)
    def _():
        pltpu.sync_copy(labels_hbm.at[pl.ds(base, C_LAST)], lab_v.at[pl.ds(0, C_LAST)])

    steps = jnp.where(is_last, STEPS_LAST, STEPS)
    ones = jnp.full((L,), 1, jnp.int32)
    zeros = jnp.full((L,), 0, jnp.int32)

    lanes1 = lax.iota(jnp.int32, L) + 1

    def body(j, p):
        v = lab_v[pl.ds(j * L, L)]
        idx = (base + j * L) + lax.iota(jnp.int32, L)
        mpos = v == 1
        mneg = v == 0
        cpos = plsc.cumsum(jnp.where(mpos, ones, zeros))
        cneg = lanes1 - cpos
        q = j * L - p
        plsc.store_scatter(pos_v, [p + cpos - 1], idx, mask=mpos)
        plsc.store_scatter(neg_v, [q + cneg - 1], idx, mask=mneg)
        return p + cpos[L - 1]

    p = lax.fori_loop(0, steps, body, jnp.int32(0))
    q = steps * L - p

    lane = lax.iota(jnp.int32, 16)
    cnt_v[...] = jnp.where(lane < 8, jnp.full((16,), p, jnp.int32),
                           jnp.full((16,), q, jnp.int32))
    pltpu.sync_copy(cnt_v, counts_out.at[wid])
    pltpu.sync_copy(pos_v.at[pl.ds(0, C)], compact_out.at[pl.ds(base, C)])
    pltpu.sync_copy(neg_v.at[pl.ds(0, C)], compact_out.at[pl.ds(NW * C + base, C)])


@functools.partial(
    pl.kernel,
    out_type=(
        jax.ShapeDtypeStruct((NUM_SAMPLES,), jnp.int32),
        jax.ShapeDtypeStruct((2 * NUM_SAMPLES,), jnp.float32),
        jax.ShapeDtypeStruct((4 * NUM_POS,), jnp.float32),
        jax.ShapeDtypeStruct((4 * NUM_POS,), jnp.float32),
    ),
    mesh=_MESH,
    compiler_params=pltpu.CompilerParams(needs_layout_passes=False),
    scratch_types=(
        pltpu.VMEM((NUM_POS,), jnp.int32),
        pltpu.VMEM((NUM_POS,), jnp.int32),
        pltpu.VMEM((NUM_POS,), jnp.int32),
        pltpu.VMEM((NUM_POS,), jnp.int32),
        pltpu.VMEM((NUM_POS,), jnp.int32),
        pltpu.VMEM((NUM_POS,), jnp.float32),
        pltpu.VMEM_SHARED((NUM_SAMPLES,), jnp.int32),
        pltpu.SemaphoreType.DMA,
    ),
)
def _gather_kernel(compact_hbm, addr_hbm, ok_hbm, labels_hbm,
                   x0_hbm, x1_hbm, p0_hbm, p1_hbm, p2_hbm, p3_hbm,
                   g0_hbm, g1_hbm, g2_hbm, g3_hbm,
                   lab_out, lg_out, pr_out, gr_out,
                   av, ov, vid, idv, vdi, vdf, shp, sem):
    core = lax.axis_index("c")
    sub = lax.axis_index("s")
    HP = NUM_POS

    @pl.when(core == 0)
    def _():
        @pl.when(sub < 2)
        def _():
            half = sub * HP
            pltpu.sync_copy(addr_hbm.at[pl.ds(half, HP)], av)
            pltpu.sync_copy(ok_hbm.at[pl.ds(half, HP)], ov)
            pltpu.async_copy(compact_hbm.at[av], vid, sem).wait()
            zero = jnp.full((L,), 0, jnp.int32)
            nmax = jnp.full((L,), N - 1, jnp.int32)
            for j in range(HP // L):
                v = vid[pl.ds(j * L, L)]
                o = ov[pl.ds(j * L, L)]
                v = jnp.minimum(jnp.maximum(v, zero), nmax)
                vid[pl.ds(j * L, L)] = jnp.where(o != 0, v, zero)
            pltpu.sync_copy(vid, shp.at[pl.ds(half, HP)])

        plsc.subcore_barrier()

        for t, off_i, off_o in ((0, 0, 0), (1, HP, HP)):
            @pl.when(sub == t)
            def _(off_i=off_i, off_o=off_o):
                pltpu.sync_copy(shp.at[pl.ds(off_i, HP)], idv)
                pltpu.async_copy(labels_hbm.at[idv], vdi, sem).wait()
                pltpu.sync_copy(vdi, lab_out.at[pl.ds(off_o, HP)])

        flt = (
            (2, x0_hbm, 0, lg_out, 0), (3, x0_hbm, HP, lg_out, HP),
            (4, x1_hbm, 0, lg_out, 2 * HP), (5, x1_hbm, HP, lg_out, 3 * HP),
            (6, p0_hbm, 0, pr_out, 0), (7, p1_hbm, 0, pr_out, HP),
            (8, p2_hbm, 0, pr_out, 2 * HP), (9, p3_hbm, 0, pr_out, 3 * HP),
            (10, g0_hbm, 0, gr_out, 0), (11, g1_hbm, 0, gr_out, HP),
            (12, g2_hbm, 0, gr_out, 2 * HP), (13, g3_hbm, 0, gr_out, 3 * HP),
        )
        for t, src, off_i, out, off_o in flt:
            @pl.when(sub == t)
            def _(src=src, off_i=off_i, out=out, off_o=off_o):
                pltpu.sync_copy(shp.at[pl.ds(off_i, HP)], idv)
                pltpu.async_copy(src.at[idv], vdf, sem).wait()
                pltpu.sync_copy(vdf, out.at[pl.ds(off_o, HP)])


def _loss_body(lg_ref, lab_ref, pr_ref, gr_ref, cls_ref, reg_ref):
    x0 = lg_ref[0:1, :]
    x1 = lg_ref[1:2, :]
    lab = lab_ref[...]
    m = jnp.maximum(x0, x1)
    lse = m + jnp.log(jnp.exp(x0 - m) + jnp.exp(x1 - m))
    xl = jnp.where(lab == 1, x1, x0)
    cls_ref[...] = jnp.full((1, 1), jnp.sum(lse - xl), jnp.float32)
    d = pr_ref[...] - gr_ref[...]
    ad = jnp.abs(d)
    sl1 = jnp.where(ad < 1.0, 0.5 * d * d, ad - 0.5)
    reg_ref[...] = jnp.full((1, 1), jnp.sum(sl1), jnp.float32)


_loss_call = pl.pallas_call(
    _loss_body,
    out_shape=(
        jax.ShapeDtypeStruct((1, 1), jnp.float32),
        jax.ShapeDtypeStruct((1, 1), jnp.float32),
    ),
)


def kernel(pred_reg, gt_reg, pred_logits, gt_labels):
    compact, counts = _compact_kernel(gt_labels)
    cpos = counts[:, 0]
    cneg = counts[:, 8]
    n_pos = jnp.sum(cpos)
    n_neg = jnp.sum(cneg)
    ppos = jnp.cumsum(cpos) - cpos
    pneg = jnp.cumsum(cneg) - cneg

    rp = _randint_from_bits(_HI_P, _LO_P, n_pos)
    rn = _randint_from_bits(_HI_N, _LO_N, n_neg)

    wp = jnp.clip(jnp.sum(ppos[None, :] <= rp[:, None], axis=1) - 1, 0, NW - 1)
    wn = jnp.clip(jnp.sum(pneg[None, :] <= rn[:, None], axis=1) - 1, 0, NW - 1)
    addr_p = wp * C + (rp - ppos[wp])
    addr_n = NW * C + wn * C + (rn - pneg[wn])
    addr = jnp.concatenate([addr_p, addr_n]).astype(jnp.int32)
    addr = jnp.clip(addr, 0, 2 * NW * C - 1)
    ok = jnp.concatenate([
        jnp.full((NUM_POS,), n_pos > 0),
        jnp.full((NUM_SAMPLES - NUM_POS,), n_neg > 0),
    ]).astype(jnp.int32)

    lab_sel, lgx, prx, grx = _gather_kernel(
        compact, addr, ok, gt_labels,
        pred_logits[:, 0], pred_logits[:, 1],
        pred_reg[:, 0], pred_reg[:, 1], pred_reg[:, 2], pred_reg[:, 3],
        gt_reg[:, 0], gt_reg[:, 1], gt_reg[:, 2], gt_reg[:, 3])

    cls, reg = _loss_call(lgx.reshape(2, NUM_SAMPLES),
                          lab_sel.reshape(1, NUM_SAMPLES),
                          prx.reshape(4, NUM_POS), grx.reshape(4, NUM_POS))
    return (cls[0, 0], jnp.array(NUM_SAMPLES), reg[0, 0], jnp.array(NUM_POS))

# --- scband reference (transcript-rebuilt; emitter-appended) ---
"""Pipeline reference for scband-rpnloss-82128364634247 (READ-ONLY COPY).

The authoritative reference and input builder live on the scoring server;
editing this copy changes nothing except your own understanding.
"""

import jax, jax.numpy as jnp
import numpy as np

NUM_SAMPLES = 256
POS_RATIO = 0.5
N = 200000


def setup_inputs(seed: int = 0) -> dict:
    key = jax.random.key(seed)
    k1, k2, k3, k4 = jax.random.split(key, 4)
    pred_reg = jax.random.normal(k1, (N, 4), dtype=jnp.float32)
    gt_reg = jax.random.normal(k2, (N, 4), dtype=jnp.float32)
    pred_logits = jax.random.normal(k3, (N, 2), dtype=jnp.float32)
    gt_labels = jax.random.randint(k4, (N,), 0, 2, dtype=jnp.int32)
    return {"pred_reg": pred_reg, "gt_reg": gt_reg, "pred_logits": pred_logits, "gt_labels": gt_labels}


def _sample_ids(gt_labels):
    n = gt_labels.shape[0]
    positives = jnp.where(gt_labels == 1, size=n, fill_value=0)[0]
    negatives = jnp.where(gt_labels == 0, size=n, fill_value=0)[0]
    num_positives = int(NUM_SAMPLES * POS_RATIO)
    rkey = jax.random.key(42)
    ka, kb = jax.random.split(rkey)
    n_pos = jnp.sum(gt_labels == 1)
    n_neg = n - n_pos
    pos_sel = positives[jax.random.randint(ka, (num_positives,), 0, n_pos)]
    neg_sel = negatives[jax.random.randint(kb, (NUM_SAMPLES - num_positives,), 0, n_neg)]
    ids = jnp.concatenate([pos_sel, neg_sel])
    mask = ids[:num_positives]
    return ids, mask


def reference(pred_reg, gt_reg, pred_logits, gt_labels):
    ids, mask = _sample_ids(gt_labels)
    # cls loss: cross-entropy with reduction='sum' over sampled ids
    logits_sel = pred_logits[ids]
    labels_sel = gt_labels[ids]
    logp = jax.nn.log_softmax(logits_sel, axis=-1)
    cls_loss = -jnp.sum(jnp.take_along_axis(logp, labels_sel[:, None].astype(jnp.int32), axis=1))
    # reg loss: smooth_l1 (beta=1) with reduction='sum' over positive mask
    if int(mask.shape[0]) > 0:
        diff = pred_reg[mask] - gt_reg[mask]
        ad = jnp.abs(diff)
        sl1 = jnp.where(ad < 1.0, 0.5 * diff * diff, ad - 0.5)
        reg_loss = jnp.sum(sl1)
        reg_count = int(mask.shape[0])
    else:
        reg_loss = jnp.array(0.0, dtype=jnp.float32)
        reg_count = 0
    return (cls_loss, jnp.array(int(ids.shape[0])), reg_loss, jnp.array(reg_count))

if __name__ == "__main__":
    import jax
    _d = setup_inputs()
    print(jax.jit(kernel)(*tuple(_d.values())))

</pallas_src>

<mosaic_0001>
#map = affine_map<(d0, d1) -> (0)>
#map1 = affine_map<(d0, d1) -> (0, 0)>
module attributes {stable_mosaic.version = 14 : i64} {
  func.func @_compact_kernel(%arg0: i32, %arg1: i32, %arg2: memref<200000xi32, #tpu.memory_space<hbm>>, %arg3: memref<400384xi32, #tpu.memory_space<hbm>>, %arg4: memref<32x16xi32, #tpu.memory_space<hbm>>, %arg5: memref<6256xi32, #tpu.memory_space<vmem>>, %arg6: memref<6272xi32, #tpu.memory_space<vmem>>, %arg7: memref<6272xi32, #tpu.memory_space<vmem>>, %arg8: memref<16xi32, #tpu.memory_space<vmem>>) attributes {dimension_semantics = [#tpu.dimension_semantics<core_parallel>, #tpu.dimension_semantics<subcore_parallel>], iteration_bounds = array<i64: 2, 16>, scalar_prefetch = 0 : i64, scratch_operands = 4 : i64, tpu.core_type = #tpu.core_type<sc_vector_subcore>, window_params = [{transform_indices = #map}, {transform_indices = #map}, {transform_indices = #map1}]} {
    %mul3A = arith.constant 2 : i32
    %mul3A_0 = arith.muli %arg1, %mul3A : i32
    %add3A = arith.addi %mul3A_0, %arg0 : i32
    %mul3A_1 = arith.constant 6256 : i32
    %mul3A_2 = arith.muli %add3A, %mul3A_1 : i32
    %eq3A = arith.constant 31 : i32
    %eq3A_3 = arith.cmpi eq, %add3A, %eq3A : i32
    %not3A = arith.constant true
    %not3A_4 = arith.xori %eq3A_3, %not3A : i1
    %convert_element_type3A = arith.extui %not3A_4 : i1 to i32
    %cond3A = arith.constant 0 : i32
    %cond3A_5 = arith.cmpi ne, %convert_element_type3A, %cond3A : i32
    scf.if %cond3A_5 {
      "tpu.region"() ({
        %run_scoped3A = tpu.sem_alloc : memref<!tpu.dma_semaphore, #tpu.memory_space<semaphore_mem>>
        %dma_start3A = arith.constant 0 : i32
        %dma_start3A_38 = tpu.memref_slice %arg5[%dma_start3A] : memref<6256xi32, #tpu.memory_space<vmem>> -> memref<6256xi32, #tpu.memory_space<vmem>>
        %dma_start3A_39 = tpu.memref_slice %arg2[%mul3A_2] : memref<200000xi32, #tpu.memory_space<hbm>> -> memref<6256xi32, #tpu.memory_space<hbm>>
        %dma_start3A_40 = arith.constant 0 : i32
        %dma_start3A_41 = tpu.memref_slice %arg5[%dma_start3A_40] : memref<6256xi32, #tpu.memory_space<vmem>> -> memref<6256xi32, #tpu.memory_space<vmem>>
        %dma_start3A_42 = tpu.memref_slice %arg2[%mul3A_2] : memref<200000xi32, #tpu.memory_space<hbm>> -> memref<6256xi32, #tpu.memory_space<hbm>>
        tpu.enqueue_dma source(%dma_start3A_42 : memref<6256xi32, #tpu.memory_space<hbm>>) target(%dma_start3A_41 : memref<6256xi32, #tpu.memory_space<vmem>>) target_semaphore(%run_scoped3A : memref<!tpu.dma_semaphore, #tpu.memory_space<semaphore_mem>>)
        %dma_wait3A = arith.constant 0 : i32
        %dma_wait3A_43 = tpu.memref_slice %arg5[%dma_wait3A] : memref<6256xi32, #tpu.memory_space<vmem>> -> memref<6256xi32, #tpu.memory_space<vmem>>
        %dma_wait3A_44 = tpu.memref_slice %arg2[%mul3A_2] : memref<200000xi32, #tpu.memory_space<hbm>> -> memref<6256xi32, #tpu.memory_space<hbm>>
        %dma_wait3A_45 = arith.constant 0 : i32
        %dma_wait3A_46 = tpu.memref_slice %arg5[%dma_wait3A_45] : memref<6256xi32, #tpu.memory_space<vmem>> -> memref<6256xi32, #tpu.memory_space<vmem>>
        %dma_wait3A_47 = tpu.memref_slice %arg2[%mul3A_2] : memref<200000xi32, #tpu.memory_space<hbm>> -> memref<6256xi32, #tpu.memory_space<hbm>>
        tpu.wait_dma2 semaphore(%run_scoped3A : memref<!tpu.dma_semaphore, #tpu.memory_space<semaphore_mem>>) src(%dma_wait3A_47 : memref<6256xi32, #tpu.memory_space<hbm>>) dst(%dma_wait3A_46 : memref<6256xi32, #tpu.memory_space<vmem>>)
        tpu.yield
      }) : () -> ()
    } else {
    }
    %convert_element_type3A_6 = arith.extui %eq3A_3 : i1 to i32
    %cond3A_7 = arith.constant 0 : i32
    %cond3A_8 = arith.cmpi ne, %convert_element_type3A_6, %cond3A_7 : i32
    scf.if %cond3A_8 {
      "tpu.region"() ({
        %run_scoped3A = tpu.sem_alloc : memref<!tpu.dma_semaphore, #tpu.memory_space<semaphore_mem>>
        %dma_start3A = arith.constant 0 : i32
        %dma_start3A_38 = tpu.memref_slice %arg5[%dma_start3A] : memref<6256xi32, #tpu.memory_space<vmem>> -> memref<6064xi32, #tpu.memory_space<vmem>>
        %dma_start3A_39 = tpu.memref_slice %arg2[%mul3A_2] : memref<200000xi32, #tpu.memory_space<hbm>> -> memref<6064xi32, #tpu.memory_space<hbm>>
        %dma_start3A_40 = arith.constant 0 : i32
        %dma_start3A_41 = tpu.memref_slice %arg5[%dma_start3A_40] : memref<6256xi32, #tpu.memory_space<vmem>> -> memref<6064xi32, #tpu.memory_space<vmem>>
        %dma_start3A_42 = tpu.memref_slice %arg2[%mul3A_2] : memref<200000xi32, #tpu.memory_space<hbm>> -> memref<6064xi32, #tpu.memory_space<hbm>>
        tpu.enqueue_dma source(%dma_start3A_42 : memref<6064xi32, #tpu.memory_space<hbm>>) target(%dma_start3A_41 : memref<6064xi32, #tpu.memory_space<vmem>>) target_semaphore(%run_scoped3A : memref<!tpu.dma_semaphore, #tpu.memory_space<semaphore_mem>>)
        %dma_wait3A = arith.constant 0 : i32
        %dma_wait3A_43 = tpu.memref_slice %arg5[%dma_wait3A] : memref<6256xi32, #tpu.memory_space<vmem>> -> memref<6064xi32, #tpu.memory_space<vmem>>
        %dma_wait3A_44 = tpu.memref_slice %arg2[%mul3A_2] : memref<200000xi32, #tpu.memory_space<hbm>> -> memref<6064xi32, #tpu.memory_space<hbm>>
        %dma_wait3A_45 = arith.constant 0 : i32
        %dma_wait3A_46 = tpu.memref_slice %arg5[%dma_wait3A_45] : memref<6256xi32, #tpu.memory_space<vmem>> -> memref<6064xi32, #tpu.memory_space<vmem>>
        %dma_wait3A_47 = tpu.memref_slice %arg2[%mul3A_2] : memref<200000xi32, #tpu.memory_space<hbm>> -> memref<6064xi32, #tpu.memory_space<hbm>>
        tpu.wait_dma2 semaphore(%run_scoped3A : memref<!tpu.dma_semaphore, #tpu.memory_space<semaphore_mem>>) src(%dma_wait3A_47 : memref<6064xi32, #tpu.memory_space<hbm>>) dst(%dma_wait3A_46 : memref<6064xi32, #tpu.memory_space<vmem>>)
        tpu.yield
      }) : () -> ()
    } else {
    }
    %jit3A = arith.constant 379 : i32
    %jit3A_9 = arith.constant 391 : i32
    %select_n3A = arith.select %eq3A_3, %jit3A, %jit3A_9 : i32
    %broadcast_in_dim3A = arith.constant 1 : i32
    %broadcast_in_dim3A_10 = vector.broadcast %broadcast_in_dim3A : i32 to vector<16xi32>
    %broadcast_in_dim3A_11 = arith.constant 0 : i32
    %broadcast_in_dim3A_12 = vector.broadcast %broadcast_in_dim3A_11 : i32 to vector<16xi32>
    %iota3A = tpu.iota {dimensions = array<i32: 0>} : vector<16xi32>
    %add3A_13 = arith.constant 1 : i32
    %add3A_14 = vector.broadcast %add3A_13 : i32 to vector<16xi32>
    %add3A_15 = arith.addi %iota3A, %add3A_14 : vector<16xi32>
    %while3A = arith.constant 0 : i32
    %while3A_16 = arith.constant 0 : i32
    %while3A_17 = arith.subi %select_n3A, %while3A : i32
    %while3A_18 = arith.addi %while3A, %while3A_17 : i32
    %while3A_19 = arith.constant 1 : i32
    %while3A_20 = arith.divsi %while3A_17, %while3A_19 : i32
    %while3A_21 = arith.muli %while3A_20, %while3A_19 : i32
    %while3A_22 = arith.addi %while3A, %while3A_21 : i32
    %while3A_23 = arith.constant 1 : i32
    %while3A_24 = scf.for %while3A_38 = %while3A to %while3A_22 step %while3A_23 iter_args(%while3A_39 = %while3A_16) -> (i32)  : i32 {
      %mul3A_40 = arith.constant 16 : i32
      %mul3A_41 = arith.muli %while3A_38, %mul3A_40 : i32
      %get3A = arith.index_cast %mul3A_41 : i32 to index
      %get3A_42 = tpu.vector_load %arg5[%get3A] {strides = array<i32>} : memref<6256xi32, #tpu.memory_space<vmem>>, vector<16xi32>,
      %mul3A_43 = arith.constant 16 : i32
      %mul3A_44 = arith.muli %while3A_38, %mul3A_43 : i32
      %add3A_45 = arith.addi %mul3A_2, %mul3A_44 : i32
      %iota3A_46 = tpu.iota {dimensions = array<i32: 0>} : vector<16xi32>
      %add3A_47 = vector.broadcast %add3A_45 : i32 to vector<16xi32>
      %add3A_48 = arith.addi %add3A_47, %iota3A_46 : vector<16xi32>
      %eq3A_49 = arith.constant 1 : i32
      %eq3A_50 = vector.broadcast %eq3A_49 : i32 to vector<16xi32>
      %eq3A_51 = arith.cmpi eq, %get3A_42, %eq3A_50 : vector<16xi32>
      %eq3A_52 = arith.constant 0 : i32
      %eq3A_53 = vector.broadcast %eq3A_52 : i32 to vector<16xi32>
      %eq3A_54 = arith.cmpi eq, %get3A_42, %eq3A_53 : vector<16xi32>
      %select_n3A_55 = arith.select %eq3A_51, %broadcast_in_dim3A_10, %broadcast_in_dim3A_12 : vector<16xi1>, vector<16xi32>
      %broadcast_in_dim3A_56 = arith.constant true
      %broadcast_in_dim3A_57 = vector.broadcast %broadcast_in_dim3A_56 : i1 to vector<16xi1>
      %masked_cumsum3A = tpu.scan <sum>, %select_n3A_55 masked %broadcast_in_dim3A_57 : vector<16xi32>, vector<16xi1> -> vector<16xi32>
      %sub3A_58 = arith.subi %add3A_15, %masked_cumsum3A : vector<16xi32>
      %mul3A_59 = arith.constant 16 : i32
      %mul3A_60 = arith.muli %while3A_38, %mul3A_59 : i32
      %sub3A_61 = arith.subi %mul3A_60, %while3A_39 : i32
      %add3A_62 = vector.broadcast %while3A_39 : i32 to vector<16xi32>
      %add3A_63 = arith.addi %add3A_62, %masked_cumsum3A : vector<16xi32>
      %sub3A_64 = arith.constant 1 : i32
      %sub3A_65 = vector.broadcast %sub3A_64 : i32 to vector<16xi32>
      %sub3A_66 = arith.subi %add3A_63, %sub3A_65 : vector<16xi32>
      tpu.vector_store_idx %arg6[%sub3A_66], %add3A_48 masked %eq3A_51 : memref<6272xi32, #tpu.memory_space<vmem>>[vector<16xi32>], vector<16xi32>, vector<16xi1>
      %add3A_67 = vector.broadcast %sub3A_61 : i32 to vector<16xi32>
      %add3A_68 = arith.addi %add3A_67, %sub3A_58 : vector<16xi32>
      %sub3A_69 = arith.constant 1 : i32
      %sub3A_70 = vector.broadcast %sub3A_69 : i32 to vector<16xi32>
      %sub3A_71 = arith.subi %add3A_68, %sub3A_70 : vector<16xi32>
      tpu.vector_store_idx %arg7[%sub3A_71], %add3A_48 masked %eq3A_54 : memref<6272xi32, #tpu.memory_space<vmem>>[vector<16xi32>], vector<16xi32>, vector<16xi1>
      %slice3A = vector.extract_strided_slice %masked_cumsum3A {offsets = [15], sizes = [1], strides = [1]} : vector<16xi32> to vector<1xi32>
      %squeeze3A = vector.extract %slice3A[0] : i32 from vector<1xi32>
      %add3A_72 = arith.addi %while3A_39, %squeeze3A : i32
      scf.yield %add3A_72 : i32
    }
    %while3A_25 = arith.constant 1 : i32
    %while3A_26 = scf.for %while3A_38 = %while3A_22 to %while3A_18 step %while3A_25 iter_args(%while3A_39 = %while3A_24) -> (i32)  : i32 {
      %mul3A_40 = arith.constant 16 : i32
      %mul3A_41 = arith.muli %while3A_38, %mul3A_40 : i32
      %get3A = arith.index_cast %mul3A_41 : i32 to index
      %get3A_42 = tpu.vector_load %arg5[%get3A] {strides = array<i32>} : memref<6256xi32, #tpu.memory_space<vmem>>, vector<16xi32>,
      %mul3A_43 = arith.constant 16 : i32
      %mul3A_44 = arith.muli %while3A_38, %mul3A_43 : i32
      %add3A_45 = arith.addi %mul3A_2, %mul3A_44 : i32
      %iota3A_46 = tpu.iota {dimensions = array<i32: 0>} : vector<16xi32>
      %add3A_47 = vector.broadcast %add3A_45 : i32 to vector<16xi32>
      %add3A_48 = arith.addi %add3A_47, %iota3A_46 : vector<16xi32>
      %eq3A_49 = arith.constant 1 : i32
      %eq3A_50 = vector.broadcast %eq3A_49 : i32 to vector<16xi32>
      %eq3A_51 = arith.cmpi eq, %get3A_42, %eq3A_50 : vector<16xi32>
      %eq3A_52 = arith.constant 0 : i32
      %eq3A_53 = vector.broadcast %eq3A_52 : i32 to vector<16xi32>
      %eq3A_54 = arith.cmpi eq, %get3A_42, %eq3A_53 : vector<16xi32>
      %select_n3A_55 = arith.select %eq3A_51, %broadcast_in_dim3A_10, %broadcast_in_dim3A_12 : vector<16xi1>, vector<16xi32>
      %broadcast_in_dim3A_56 = arith.constant true
      %broadcast_in_dim3A_57 = vector.broadcast %broadcast_in_dim3A_56 : i1 to vector<16xi1>
      %masked_cumsum3A = tpu.scan <sum>, %select_n3A_55 masked %broadcast_in_dim3A_57 : vector<16xi32>, vector<16xi1> -> vector<16xi32>
      %sub3A_58 = arith.subi %add3A_15, %masked_cumsum3A : vector<16xi32>
      %mul3A_59 = arith.constant 16 : i32
      %mul3A_60 = arith.muli %while3A_38, %mul3A_59 : i32
      %sub3A_61 = arith.subi %mul3A_60, %while3A_39 : i32
      %add3A_62 = vector.broadcast %while3A_39 : i32 to vector<16xi32>
      %add3A_63 = arith.addi %add3A_62, %masked_cumsum3A : vector<16xi32>
      %sub3A_64 = arith.constant 1 : i32
      %sub3A_65 = vector.broadcast %sub3A_64 : i32 to vector<16xi32>
      %sub3A_66 = arith.subi %add3A_63, %sub3A_65 : vector<16xi32>
      tpu.vector_store_idx %arg6[%sub3A_66], %add3A_48 masked %eq3A_51 : memref<6272xi32, #tpu.memory_space<vmem>>[vector<16xi32>], vector<16xi32>, vector<16xi1>
      %add3A_67 = vector.broadcast %sub3A_61 : i32 to vector<16xi32>
      %add3A_68 = arith.addi %add3A_67, %sub3A_58 : vector<16xi32>
      %sub3A_69 = arith.constant 1 : i32
      %sub3A_70 = vector.broadcast %sub3A_69 : i32 to vector<16xi32>
      %sub3A_71 = arith.subi %add3A_68, %sub3A_70 : vector<16xi32>
      tpu.vector_store_idx %arg7[%sub3A_71], %add3A_48 masked %eq3A_54 : memref<6272xi32, #tpu.memory_space<vmem>>[vector<16xi32>], vector<16xi32>, vector<16xi1>
      %slice3A = vector.extract_strided_slice %masked_cumsum3A {offsets = [15], sizes = [1], strides = [1]} : vector<16xi32> to vector<1xi32>
      %squeeze3A = vector.extract %slice3A[0] : i32 from vector<1xi32>
      %add3A_72 = arith.addi %while3A_39, %squeeze3A : i32
      scf.yield %add3A_72 : i32
    }
    %mul3A_27 = arith.constant 16 : i32
    %mul3A_28 = arith.muli %select_n3A, %mul3A_27 : i32
    %sub3A = arith.subi %mul3A_28, %while3A_26 : i32
    %iota3A_29 = tpu.iota {dimensions = array<i32: 0>} : vector<16xi32>
    %lt3A = arith.constant 8 : i32
    %lt3A_30 = vector.broadcast %lt3A : i32 to vector<16xi32>
    %lt3A_31 = arith.cmpi slt, %iota3A_29, %lt3A_30 : vector<16xi32>
    %broadcast_in_dim3A_32 = vector.broadcast %while3A_26 : i32 to vector<16xi32>
    %broadcast_in_dim3A_33 = vector.broadcast %sub3A : i32 to vector<16xi32>
    %select_n3A_34 = arith.select %lt3A_31, %broadcast_in_dim3A_32, %broadcast_in_dim3A_33 : vector<16xi1>, vector<16xi32>
    %swap3A = arith.constant 0 : index
    %swap3A_35 = tpu.vector_load %arg8[%swap3A] {strides = array<i32>} : memref<16xi32, #tpu.memory_space<vmem>>, vector<16xi32>,
    tpu.vector_store %arg8[%swap3A], %select_n3A_34 {strides = array<i32>} : memref<16xi32, #tpu.memory_space<vmem>>, vector<16xi32>,
    "tpu.region"() ({
      %run_scoped3A = tpu.sem_alloc : memref<!tpu.dma_semaphore, #tpu.memory_space<semaphore_mem>>
      %dma_start3A = arith.constant 0 : i32
      %dma_start3A_38 = tpu.memref_slice %arg4[%add3A, %dma_start3A] : memref<32x16xi32, #tpu.memory_space<hbm>> -> memref<1x16xi32, #tpu.memory_space<hbm>>
      %dma_start3A_39 = tpu.memref_squeeze %dma_start3A_38 : memref<1x16xi32, #tpu.memory_space<hbm>> -> memref<16xi32, #tpu.memory_space<hbm>>
      %dma_start3A_40 = arith.constant 0 : i32
      %dma_start3A_41 = tpu.memref_slice %arg4[%add3A, %dma_start3A_40] : memref<32x16xi32, #tpu.memory_space<hbm>> -> memref<1x16xi32, #tpu.memory_space<hbm>>
      %dma_start3A_42 = tpu.memref_squeeze %dma_start3A_41 : memref<1x16xi32, #tpu.memory_space<hbm>> -> memref<16xi32, #tpu.memory_space<hbm>>
      tpu.enqueue_dma source(%arg8 : memref<16xi32, #tpu.memory_space<vmem>>) target(%dma_start3A_42 : memref<16xi32, #tpu.memory_space<hbm>>) target_semaphore(%run_scoped3A : memref<!tpu.dma_semaphore, #tpu.memory_space<semaphore_mem>>)
      %dma_wait3A = arith.constant 0 : i32
      %dma_wait3A_43 = tpu.memref_slice %arg4[%add3A, %dma_wait3A] : memref<32x16xi32, #tpu.memory_space<hbm>> -> memref<1x16xi32, #tpu.memory_space<hbm>>
      %dma_wait3A_44 = tpu.memref_squeeze %dma_wait3A_43 : memref<1x16xi32, #tpu.memory_space<hbm>> -> memref<16xi32, #tpu.memory_space<hbm>>
      %dma_wait3A_45 = arith.constant 0 : i32
      %dma_wait3A_46 = tpu.memref_slice %arg4[%add3A, %dma_wait3A_45] : memref<32x16xi32, #tpu.memory_space<hbm>> -> memref<1x16xi32, #tpu.memory_space<hbm>>
      %dma_wait3A_47 = tpu.memref_squeeze %dma_wait3A_46 : memref<1x16xi32, #tpu.memory_space<hbm>> -> memref<16xi32, #tpu.memory_space<hbm>>
      tpu.wait_dma2 semaphore(%run_scoped3A : memref<!tpu.dma_semaphore, #tpu.memory_space<semaphore_mem>>) src(%arg8 : memref<16xi32, #tpu.memory_space<vmem>>) dst(%dma_wait3A_47 : memref<16xi32, #tpu.memory_space<hbm>>)
      tpu.yield
    }) : () -> ()
    "tpu.region"() ({
      %run_scoped3A = tpu.sem_alloc : memref<!tpu.dma_semaphore, #tpu.memory_space<semaphore_mem>>
      %dma_start3A = arith.constant 0 : i32
      %dma_start3A_38 = tpu.memref_slice %arg6[%dma_start3A] : memref<6272xi32, #tpu.memory_space<vmem>> -> memref<6256xi32, #tpu.memory_space<vmem>>
      %dma_start3A_39 = tpu.memref_slice %arg3[%mul3A_2] : memref<400384xi32, #tpu.memory_space<hbm>> -> memref<6256xi32, #tpu.memory_space<hbm>>
      %dma_start3A_40 = tpu.memref_slice %arg3[%mul3A_2] : memref<400384xi32, #tpu.memory_space<hbm>> -> memref<6256xi32, #tpu.memory_space<hbm>>
      %dma_start3A_41 = arith.constant 0 : i32
      %dma_start3A_42 = tpu.memref_slice %arg6[%dma_start3A_41] : memref<6272xi32, #tpu.memory_space<vmem>> -> memref<6256xi32, #tpu.memory_space<vmem>>
      tpu.enqueue_dma source(%dma_start3A_42 : memref<6256xi32, #tpu.memory_space<vmem>>) target(%dma_start3A_40 : memref<6256xi32, #tpu.memory_space<hbm>>) target_semaphore(%run_scoped3A : memref<!tpu.dma_semaphore, #tpu.memory_space<semaphore_mem>>)
      %dma_wait3A = arith.constant 0 : i32
      %dma_wait3A_43 = tpu.memref_slice %arg6[%dma_wait3A] : memref<6272xi32, #tpu.memory_space<vmem>> -> memref<6256xi32, #tpu.memory_space<vmem>>
      %dma_wait3A_44 = tpu.memref_slice %arg3[%mul3A_2] : memref<400384xi32, #tpu.memory_space<hbm>> -> memref<6256xi32, #tpu.memory_space<hbm>>
      %dma_wait3A_45 = tpu.memref_slice %arg3[%mul3A_2] : memref<400384xi32, #tpu.memory_space<hbm>> -> memref<6256xi32, #tpu.memory_space<hbm>>
      %dma_wait3A_46 = arith.constant 0 : i32
      %dma_wait3A_47 = tpu.memref_slice %arg6[%dma_wait3A_46] : memref<6272xi32, #tpu.memory_space<vmem>> -> memref<6256xi32, #tpu.memory_space<vmem>>
      tpu.wait_dma2 semaphore(%run_scoped3A : memref<!tpu.dma_semaphore, #tpu.memory_space<semaphore_mem>>) src(%dma_wait3A_47 : memref<6256xi32, #tpu.memory_space<vmem>>) dst(%dma_wait3A_45 : memref<6256xi32, #tpu.memory_space<hbm>>)
      tpu.yield
    }) : () -> ()
    %add3A_36 = arith.constant 200192 : i32
    %add3A_37 = arith.addi %add3A_36, %mul3A_2 : i32
    "tpu.region"() ({
      %run_scoped3A = tpu.sem_alloc : memref<!tpu.dma_semaphore, #tpu.memory_space<semaphore_mem>>
      %dma_start3A = arith.constant 0 : i32
      %dma_start3A_38 = tpu.memref_slice %arg7[%dma_start3A] : memref<6272xi32, #tpu.memory_space<vmem>> -> memref<6256xi32, #tpu.memory_space<vmem>>
      %dma_start3A_39 = tpu.memref_slice %arg3[%add3A_37] : memref<400384xi32, #tpu.memory_space<hbm>> -> memref<6256xi32, #tpu.memory_space<hbm>>
      %dma_start3A_40 = tpu.memref_slice %arg3[%add3A_37] : memref<400384xi32, #tpu.memory_space<hbm>> -> memref<6256xi32, #tpu.memory_space<hbm>>
      %dma_start3A_41 = arith.constant 0 : i32
      %dma_start3A_42 = tpu.memref_slice %arg7[%dma_start3A_41] : memref<6272xi32, #tpu.memory_space<vmem>> -> memref<6256xi32, #tpu.memory_space<vmem>>
      tpu.enqueue_dma source(%dma_start3A_42 : memref<6256xi32, #tpu.memory_space<vmem>>) target(%dma_start3A_40 : memref<6256xi32, #tpu.memory_space<hbm>>) target_semaphore(%run_scoped3A : memref<!tpu.dma_semaphore, #tpu.memory_space<semaphore_mem>>)
      %dma_wait3A = arith.constant 0 : i32
      %dma_wait3A_43 = tpu.memref_slice %arg7[%dma_wait3A] : memref<6272xi32, #tpu.memory_space<vmem>> -> memref<6256xi32, #tpu.memory_space<vmem>>
      %dma_wait3A_44 = tpu.memref_slice %arg3[%add3A_37] : memref<400384xi32, #tpu.memory_space<hbm>> -> memref<6256xi32, #tpu.memory_space<hbm>>
      %dma_wait3A_45 = tpu.memref_slice %arg3[%add3A_37] : memref<400384xi32, #tpu.memory_space<hbm>> -> memref<6256xi32, #tpu.memory_space<hbm>>
      %dma_wait3A_46 = arith.constant 0 : i32
      %dma_wait3A_47 = tpu.memref_slice %arg7[%dma_wait3A_46] : memref<6272xi32, #tpu.memory_space<vmem>> -> memref<6256xi32, #tpu.memory_space<vmem>>
      tpu.wait_dma2 semaphore(%run_scoped3A : memref<!tpu.dma_semaphore, #tpu.memory_space<semaphore_mem>>) src(%dma_wait3A_47 : memref<6256xi32, #tpu.memory_space<vmem>>) dst(%dma_wait3A_45 : memref<6256xi32, #tpu.memory_space<hbm>>)
      tpu.yield
    }) : () -> ()
    return
  }
}

#map = affine_map<(d0, d1) -> (0)>
module attributes {stable_mosaic.version = 14 : i64} {
  func.func @_gather_kernel(%arg0: i32, %arg1: i32, %arg2: memref<400384xi32, #tpu.memory_space<hbm>>, %arg3: memref<256xi32, #tpu.memory_space<hbm>>, %arg4: memref<256xi32, #tpu.memory_space<hbm>>, %arg5: memref<200000xi32, #tpu.memory_space<hbm>>, %arg6: memref<200000xf32, #tpu.memory_space<hbm>>, %arg7: memref<200000xf32, #tpu.memory_space<hbm>>, %arg8: memref<200000xf32, #tpu.memory_space<hbm>>, %arg9: memref<200000xf32, #tpu.memory_space<hbm>>, %arg10: memref<200000xf32, #tpu.memory_space<hbm>>, %arg11: memref<200000xf32, #tpu.memory_space<hbm>>, %arg12: memref<200000xf32, #tpu.memory_space<hbm>>, %arg13: memref<200000xf32, #tpu.memory_space<hbm>>, %arg14: memref<200000xf32, #tpu.memory_space<hbm>>, %arg15: memref<200000xf32, #tpu.memory_space<hbm>>, %arg16: memref<256xi32, #tpu.memory_space<hbm>>, %arg17: memref<512xf32, #tpu.memory_space<hbm>>, %arg18: memref<512xf32, #tpu.memory_space<hbm>>, %arg19: memref<512xf32, #tpu.memory_space<hbm>>, %arg20: memref<128xi32, #tpu.memory_space<vmem>>, %arg21: memref<128xi32, #tpu.memory_space<vmem>>, %arg22: memref<128xi32, #tpu.memory_space<vmem>>, %arg23: memref<128xi32, #tpu.memory_space<vmem>>, %arg24: memref<128xi32, #tpu.memory_space<vmem>>, %arg25: memref<128xf32, #tpu.memory_space<vmem>>, %arg26: memref<256xi32, #tpu.memory_space<vmem_shared>>, %arg27: memref<!tpu.dma_semaphore, #tpu.memory_space<semaphore_mem>>) attributes {dimension_semantics = [#tpu.dimension_semantics<core_parallel>, #tpu.dimension_semantics<subcore_parallel>], iteration_bounds = array<i64: 2, 16>, scalar_prefetch = 0 : i64, scratch_operands = 8 : i64, tpu.core_type = #tpu.core_type<sc_vector_subcore>, window_params = [{transform_indices = #map}, {transform_indices = #map}, {transform_indices = #map}, {transform_indices = #map}, {transform_indices = #map}, {transform_indices = #map}, {transform_indices = #map}, {transform_indices = #map}, {transform_indices = #map}, {transform_indices = #map}, {transform_indices = #map}, {transform_indices = #map}, {transform_indices = #map}, {transform_indices = #map}, {transform_indices = #map}, {transform_indices = #map}, {transform_indices = #map}, {transform_indices = #map}]} {
    %eq3A = arith.constant 0 : i32
    %eq3A_0 = arith.cmpi eq, %arg0, %eq3A : i32
    %convert_element_type3A = arith.extui %eq3A_0 : i1 to i32
    %cond3A = arith.constant 0 : i32
    %cond3A_1 = arith.cmpi ne, %convert_element_type3A, %cond3A : i32
    scf.if %cond3A_1 {
      %lt3A = arith.constant 2 : i32
      %lt3A_2 = arith.cmpi slt, %arg1, %lt3A : i32
      %convert_element_type3A_3 = arith.extui %lt3A_2 : i1 to i32
      %cond3A_4 = arith.constant 0 : i32
      %cond3A_5 = arith.cmpi ne, %convert_element_type3A_3, %cond3A_4 : i32
      scf.if %cond3A_5 {
        %mul3A = arith.constant 128 : i32
        %mul3A_76 = arith.muli %arg1, %mul3A : i32
        "tpu.region"() ({
          %run_scoped3A = tpu.sem_alloc : memref<!tpu.dma_semaphore, #tpu.memory_space<semaphore_mem>>
          %dma_start3A_172 = tpu.memref_slice %arg3[%mul3A_76] : memref<256xi32, #tpu.memory_space<hbm>> -> memref<128xi32, #tpu.memory_space<hbm>>
          %dma_start3A_173 = tpu.memref_slice %arg3[%mul3A_76] : memref<256xi32, #tpu.memory_space<hbm>> -> memref<128xi32, #tpu.memory_space<hbm>>
          tpu.enqueue_dma source(%dma_start3A_173 : memref<128xi32, #tpu.memory_space<hbm>>) target(%arg20 : memref<128xi32, #tpu.memory_space<vmem>>) target_semaphore(%run_scoped3A : memref<!tpu.dma_semaphore, #tpu.memory_space<semaphore_mem>>)
          %dma_wait3A_174 = tpu.memref_slice %arg3[%mul3A_76] : memref<256xi32, #tpu.memory_space<hbm>> -> memref<128xi32, #tpu.memory_space<hbm>>
          %dma_wait3A_175 = tpu.memref_slice %arg3[%mul3A_76] : memref<256xi32, #tpu.memory_space<hbm>> -> memref<128xi32, #tpu.memory_space<hbm>>
          tpu.wait_dma2 semaphore(%run_scoped3A : memref<!tpu.dma_semaphore, #tpu.memory_space<semaphore_mem>>) src(%dma_wait3A_175 : memref<128xi32, #tpu.memory_space<hbm>>) dst(%arg20 : memref<128xi32, #tpu.memory_space<vmem>>)
          tpu.yield
        }) : () -> ()
        "tpu.region"() ({
          %run_scoped3A = tpu.sem_alloc : memref<!tpu.dma_semaphore, #tpu.memory_space<semaphore_mem>>
          %dma_start3A_172 = tpu.memref_slice %arg4[%mul3A_76] : memref<256xi32, #tpu.memory_space<hbm>> -> memref<128xi32, #tpu.memory_space<hbm>>
          %dma_start3A_173 = tpu.memref_slice %arg4[%mul3A_76] : memref<256xi32, #tpu.memory_space<hbm>> -> memref<128xi32, #tpu.memory_space<hbm>>
          tpu.enqueue_dma source(%dma_start3A_173 : memref<128xi32, #tpu.memory_space<hbm>>) target(%arg21 : memref<128xi32, #tpu.memory_space<vmem>>) target_semaphore(%run_scoped3A : memref<!tpu.dma_semaphore, #tpu.memory_space<semaphore_mem>>)
          %dma_wait3A_174 = tpu.memref_slice %arg4[%mul3A_76] : memref<256xi32, #tpu.memory_space<hbm>> -> memref<128xi32, #tpu.memory_space<hbm>>
          %dma_wait3A_175 = tpu.memref_slice %arg4[%mul3A_76] : memref<256xi32, #tpu.memory_space<hbm>> -> memref<128xi32, #tpu.memory_space<hbm>>
          tpu.wait_dma2 semaphore(%run_scoped3A : memref<!tpu.dma_semaphore, #tpu.memory_space<semaphore_mem>>) src(%dma_wait3A_175 : memref<128xi32, #tpu.memory_space<hbm>>) dst(%arg21 : memref<128xi32, #tpu.memory_space<vmem>>)
          tpu.yield
        }) : () -> ()
        %dma_start3A = arith.constant 0 : i32
        %dma_start3A_77 = tpu.memref_slice %arg2[%dma_start3A] : memref<400384xi32, #tpu.memory_space<hbm>> -> memref<400384xi32, #tpu.memory_space<hbm>>
        tpu.enqueue_indirect_dma source(%dma_start3A_77 : memref<400384xi32, #tpu.memory_space<hbm>>) target(%arg22 : memref<128xi32, #tpu.memory_space<vmem>>) offsets(%arg20 : memref<128xi32, #tpu.memory_space<vmem>>) semaphore(%arg27 : memref<!tpu.dma_semaphore, #tpu.memory_space<semaphore_mem>>)
        %dma_wait3A = arith.constant 0 : i32
        %dma_wait3A_78 = tpu.memref_slice %arg2[%dma_wait3A] : memref<400384xi32, #tpu.memory_space<hbm>> -> memref<400384xi32, #tpu.memory_space<hbm>>
        tpu.wait_indirect_dma semaphore(%arg27 : memref<!tpu.dma_semaphore, #tpu.memory_space<semaphore_mem>>) src(%dma_wait3A_78 : memref<400384xi32, #tpu.memory_space<hbm>>) dst(%arg22 : memref<128xi32, #tpu.memory_space<vmem>>)
        %broadcast_in_dim3A = arith.constant 0 : i32
        %broadcast_in_dim3A_79 = vector.broadcast %broadcast_in_dim3A : i32 to vector<16xi32>
        %broadcast_in_dim3A_80 = arith.constant 199999 : i32
        %broadcast_in_dim3A_81 = vector.broadcast %broadcast_in_dim3A_80 : i32 to vector<16xi32>
        %get3A = arith.constant 0 : index
        %get3A_82 = tpu.vector_load %arg22[%get3A] {strides = array<i32>} : memref<128xi32, #tpu.memory_space<vmem>>, vector<16xi32>,
        %get3A_83 = arith.constant 0 : index
        %get3A_84 = tpu.vector_load %arg21[%get3A_83] {strides = array<i32>} : memref<128xi32, #tpu.memory_space<vmem>>, vector<16xi32>,
        %max3A = arith.maxsi %get3A_82, %broadcast_in_dim3A_79 : vector<16xi32>
        %min3A = arith.minsi %max3A, %broadcast_in_dim3A_81 : vector<16xi32>
        %ne3A = arith.constant 0 : i32
        %ne3A_85 = vector.broadcast %ne3A : i32 to vector<16xi32>
        %ne3A_86 = arith.cmpi ne, %get3A_84, %ne3A_85 : vector<16xi32>
        %select_n3A = arith.select %ne3A_86, %min3A, %broadcast_in_dim3A_79 : vector<16xi1>, vector<16xi32>
        %swap3A = arith.constant 0 : index
        %swap3A_87 = tpu.vector_load %arg22[%swap3A] {strides = array<i32>} : memref<128xi32, #tpu.memory_space<vmem>>, vector<16xi32>,
        tpu.vector_store %arg22[%swap3A], %select_n3A {strides = array<i32>} : memref<128xi32, #tpu.memory_space<vmem>>, vector<16xi32>,
        %get3A_88 = arith.constant 16 : index
        %get3A_89 = tpu.vector_load %arg22[%get3A_88] {strides = array<i32>} : memref<128xi32, #tpu.memory_space<vmem>>, vector<16xi32>,
        %get3A_90 = arith.constant 16 : index
        %get3A_91 = tpu.vector_load %arg21[%get3A_90] {strides = array<i32>} : memref<128xi32, #tpu.memory_space<vmem>>, vector<16xi32>,
        %max3A_92 = arith.maxsi %get3A_89, %broadcast_in_dim3A_79 : vector<16xi32>
        %min3A_93 = arith.minsi %max3A_92, %broadcast_in_dim3A_81 : vector<16xi32>
        %ne3A_94 = arith.constant 0 : i32
        %ne3A_95 = vector.broadcast %ne3A_94 : i32 to vector<16xi32>
        %ne3A_96 = arith.cmpi ne, %get3A_91, %ne3A_95 : vector<16xi32>
        %select_n3A_97 = arith.select %ne3A_96, %min3A_93, %broadcast_in_dim3A_79 : vector<16xi1>, vector<16xi32>
        %swap3A_98 = arith.constant 16 : index
        %swap3A_99 = tpu.vector_load %arg22[%swap3A_98] {strides = array<i32>} : memref<128xi32, #tpu.memory_space<vmem>>, vector<16xi32>,
        tpu.vector_store %arg22[%swap3A_98], %select_n3A_97 {strides = array<i32>} : memref<128xi32, #tpu.memory_space<vmem>>, vector<16xi32>,
        %get3A_100 = arith.constant 32 : index
        %get3A_101 = tpu.vector_load %arg22[%get3A_100] {strides = array<i32>} : memref<128xi32, #tpu.memory_space<vmem>>, vector<16xi32>,
        %get3A_102 = arith.constant 32 : index
        %get3A_103 = tpu.vector_load %arg21[%get3A_102] {strides = array<i32>} : memref<128xi32, #tpu.memory_space<vmem>>, vector<16xi32>,
        %max3A_104 = arith.maxsi %get3A_101, %broadcast_in_dim3A_79 : vector<16xi32>
        %min3A_105 = arith.minsi %max3A_104, %broadcast_in_dim3A_81 : vector<16xi32>
        %ne3A_106 = arith.constant 0 : i32
        %ne3A_107 = vector.broadcast %ne3A_106 : i32 to vector<16xi32>
        %ne3A_108 = arith.cmpi ne, %get3A_103, %ne3A_107 : vector<16xi32>
        %select_n3A_109 = arith.select %ne3A_108, %min3A_105, %broadcast_in_dim3A_79 : vector<16xi1>, vector<16xi32>
        %swap3A_110 = arith.constant 32 : index
        %swap3A_111 = tpu.vector_load %arg22[%swap3A_110] {strides = array<i32>} : memref<128xi32, #tpu.memory_space<vmem>>, vector<16xi32>,
        tpu.vector_store %arg22[%swap3A_110], %select_n3A_109 {strides = array<i32>} : memref<128xi32, #tpu.memory_space<vmem>>, vector<16xi32>,
        %get3A_112 = arith.constant 48 : index
        %get3A_113 = tpu.vector_load %arg22[%get3A_112] {strides = array<i32>} : memref<128xi32, #tpu.memory_space<vmem>>, vector<16xi32>,
        %get3A_114 = arith.constant 48 : index
        %get3A_115 = tpu.vector_load %arg21[%get3A_114] {strides = array<i32>} : memref<128xi32, #tpu.memory_space<vmem>>, vector<16xi32>,
        %max3A_116 = arith.maxsi %get3A_113, %broadcast_in_dim3A_79 : vector<16xi32>
        %min3A_117 = arith.minsi %max3A_116, %broadcast_in_dim3A_81 : vector<16xi32>
        %ne3A_118 = arith.constant 0 : i32
        %ne3A_119 = vector.broadcast %ne3A_118 : i32 to vector<16xi32>
        %ne3A_120 = arith.cmpi ne, %get3A_115, %ne3A_119 : vector<16xi32>
        %select_n3A_121 = arith.select %ne3A_120, %min3A_117, %broadcast_in_dim3A_79 : vector<16xi1>, vector<16xi32>
        %swap3A_122 = arith.constant 48 : index
        %swap3A_123 = tpu.vector_load %arg22[%swap3A_122] {strides = array<i32>} : memref<128xi32, #tpu.memory_space<vmem>>, vector<16xi32>,
        tpu.vector_store %arg22[%swap3A_122], %select_n3A_121 {strides = array<i32>} : memref<128xi32, #tpu.memory_space<vmem>>, vector<16xi32>,
        %get3A_124 = arith.constant 64 : index
        %get3A_125 = tpu.vector_load %arg22[%get3A_124] {strides = array<i32>} : memref<128xi32, #tpu.memory_space<vmem>>, vector<16xi32>,
        %get3A_126 = arith.constant 64 : index
        %get3A_127 = tpu.vector_load %arg21[%get3A_126] {strides = array<i32>} : memref<128xi32, #tpu.memory_space<vmem>>, vector<16xi32>,
        %max3A_128 = arith.maxsi %get3A_125, %broadcast_in_dim3A_79 : vector<16xi32>
        %min3A_129 = arith.minsi %max3A_128, %broadcast_in_dim3A_81 : vector<16xi32>
        %ne3A_130 = arith.constant 0 : i32
        %ne3A_131 = vector.broadcast %ne3A_130 : i32 to vector<16xi32>
        %ne3A_132 = arith.cmpi ne, %get3A_127, %ne3A_131 : vector<16xi32>
        %select_n3A_133 = arith.select %ne3A_132, %min3A_129, %broadcast_in_dim3A_79 : vector<16xi1>, vector<16xi32>
        %swap3A_134 = arith.constant 64 : index
        %swap3A_135 = tpu.vector_load %arg22[%swap3A_134] {strides = array<i32>} : memref<128xi32, #tpu.memory_space<vmem>>, vector<16xi32>,
        tpu.vector_store %arg22[%swap3A_134], %select_n3A_133 {strides = array<i32>} : memref<128xi32, #tpu.memory_space<vmem>>, vector<16xi32>,
        %get3A_136 = arith.constant 80 : index
        %get3A_137 = tpu.vector_load %arg22[%get3A_136] {strides = array<i32>} : memref<128xi32, #tpu.memory_space<vmem>>, vector<16xi32>,
        %get3A_138 = arith.constant 80 : index
        %get3A_139 = tpu.vector_load %arg21[%get3A_138] {strides = array<i32>} : memref<128xi32, #tpu.memory_space<vmem>>, vector<16xi32>,
        %max3A_140 = arith.maxsi %get3A_137, %broadcast_in_dim3A_79 : vector<16xi32>
        %min3A_141 = arith.minsi %max3A_140, %broadcast_in_dim3A_81 : vector<16xi32>
        %ne3A_142 = arith.constant 0 : i32
        %ne3A_143 = vector.broadcast %ne3A_142 : i32 to vector<16xi32>
        %ne3A_144 = arith.cmpi ne, %get3A_139, %ne3A_143 : vector<16xi32>
        %select_n3A_145 = arith.select %ne3A_144, %min3A_141, %broadcast_in_dim3A_79 : vector<16xi1>, vector<16xi32>
        %swap3A_146 = arith.constant 80 : index
        %swap3A_147 = tpu.vector_load %arg22[%swap3A_146] {strides = array<i32>} : memref<128xi32, #tpu.memory_space<vmem>>, vector<16xi32>,
        tpu.vector_store %arg22[%swap3A_146], %select_n3A_145 {strides = array<i32>} : memref<128xi32, #tpu.memory_space<vmem>>, vector<16xi32>,
        %get3A_148 = arith.constant 96 : index
        %get3A_149 = tpu.vector_load %arg22[%get3A_148] {strides = array<i32>} : memref<128xi32, #tpu.memory_space<vmem>>, vector<16xi32>,
        %get3A_150 = arith.constant 96 : index
        %get3A_151 = tpu.vector_load %arg21[%get3A_150] {strides = array<i32>} : memref<128xi32, #tpu.memory_space<vmem>>, vector<16xi32>,
        %max3A_152 = arith.maxsi %get3A_149, %broadcast_in_dim3A_79 : vector<16xi32>
        %min3A_153 = arith.minsi %max3A_152, %broadcast_in_dim3A_81 : vector<16xi32>
        %ne3A_154 = arith.constant 0 : i32
        %ne3A_155 = vector.broadcast %ne3A_154 : i32 to vector<16xi32>
        %ne3A_156 = arith.cmpi ne, %get3A_151, %ne3A_155 : vector<16xi32>
        %select_n3A_157 = arith.select %ne3A_156, %min3A_153, %broadcast_in_dim3A_79 : vector<16xi1>, vector<16xi32>
        %swap3A_158 = arith.constant 96 : index
        %swap3A_159 = tpu.vector_load %arg22[%swap3A_158] {strides = array<i32>} : memref<128xi32, #tpu.memory_space<vmem>>, vector<16xi32>,
        tpu.vector_store %arg22[%swap3A_158], %select_n3A_157 {strides = array<i32>} : memref<128xi32, #tpu.memory_space<vmem>>, vector<16xi32>,
        %get3A_160 = arith.constant 112 : index
        %get3A_161 = tpu.vector_load %arg22[%get3A_160] {strides = array<i32>} : memref<128xi32, #tpu.memory_space<vmem>>, vector<16xi32>,
        %get3A_162 = arith.constant 112 : index
        %get3A_163 = tpu.vector_load %arg21[%get3A_162] {strides = array<i32>} : memref<128xi32, #tpu.memory_space<vmem>>, vector<16xi32>,
        %max3A_164 = arith.maxsi %get3A_161, %broadcast_in_dim3A_79 : vector<16xi32>
        %min3A_165 = arith.minsi %max3A_164, %broadcast_in_dim3A_81 : vector<16xi32>
        %ne3A_166 = arith.constant 0 : i32
        %ne3A_167 = vector.broadcast %ne3A_166 : i32 to vector<16xi32>
        %ne3A_168 = arith.cmpi ne, %get3A_163, %ne3A_167 : vector<16xi32>
        %select_n3A_169 = arith.select %ne3A_168, %min3A_165, %broadcast_in_dim3A_79 : vector<16xi1>, vector<16xi32>
        %swap3A_170 = arith.constant 112 : index
        %swap3A_171 = tpu.vector_load %arg22[%swap3A_170] {strides = array<i32>} : memref<128xi32, #tpu.memory_space<vmem>>, vector<16xi32>,
        tpu.vector_store %arg22[%swap3A_170], %select_n3A_169 {strides = array<i32>} : memref<128xi32, #tpu.memory_space<vmem>>, vector<16xi32>,
        "tpu.region"() ({
          %run_scoped3A = tpu.sem_alloc : memref<!tpu.dma_semaphore, #tpu.memory_space<semaphore_mem>>
          %dma_start3A_172 = tpu.memref_slice %arg26[%mul3A_76] : memref<256xi32, #tpu.memory_space<vmem_shared>> -> memref<128xi32, #tpu.memory_space<vmem_shared>>
          %dma_start3A_173 = tpu.memref_slice %arg26[%mul3A_76] : memref<256xi32, #tpu.memory_space<vmem_shared>> -> memref<128xi32, #tpu.memory_space<vmem_shared>>
          tpu.enqueue_dma source(%arg22 : memref<128xi32, #tpu.memory_space<vmem>>) target(%dma_start3A_173 : memref<128xi32, #tpu.memory_space<vmem_shared>>) target_semaphore(%run_scoped3A : memref<!tpu.dma_semaphore, #tpu.memory_space<semaphore_mem>>)
          %dma_wait3A_174 = tpu.memref_slice %arg26[%mul3A_76] : memref<256xi32, #tpu.memory_space<vmem_shared>> -> memref<128xi32, #tpu.memory_space<vmem_shared>>
          %dma_wait3A_175 = tpu.memref_slice %arg26[%mul3A_76] : memref<256xi32, #tpu.memory_space<vmem_shared>> -> memref<128xi32, #tpu.memory_space<vmem_shared>>
          tpu.wait_dma2 semaphore(%run_scoped3A : memref<!tpu.dma_semaphore, #tpu.memory_space<semaphore_mem>>) src(%arg22 : memref<128xi32, #tpu.memory_space<vmem>>) dst(%dma_wait3A_175 : memref<128xi32, #tpu.memory_space<vmem_shared>>)
          tpu.yield
        }) : () -> ()
      } else {
      }
      %barrier3A = arith.constant 0 : index
      tpu.barrier barrier_id(%barrier3A)
      %eq3A_6 = arith.constant 0 : i32
      %eq3A_7 = arith.cmpi eq, %arg1, %eq3A_6 : i32
      %convert_element_type3A_8 = arith.extui %eq3A_7 : i1 to i32
      %cond3A_9 = arith.constant 0 : i32
      %cond3A_10 = arith.cmpi ne, %convert_element_type3A_8, %cond3A_9 : i32
      scf.if %cond3A_10 {
        "tpu.region"() ({
          %run_scoped3A = tpu.sem_alloc : memref<!tpu.dma_semaphore, #tpu.memory_space<semaphore_mem>>
          %dma_start3A_78 = arith.constant 0 : i32
          %dma_start3A_79 = tpu.memref_slice %arg26[%dma_start3A_78] : memref<256xi32, #tpu.memory_space<vmem_shared>> -> memref<128xi32, #tpu.memory_space<vmem_shared>>
          %dma_start3A_80 = arith.constant 0 : i32
          %dma_start3A_81 = tpu.memref_slice %arg26[%dma_start3A_80] : memref<256xi32, #tpu.memory_space<vmem_shared>> -> memref<128xi32, #tpu.memory_space<vmem_shared>>
          tpu.enqueue_dma source(%dma_start3A_81 : memref<128xi32, #tpu.memory_space<vmem_shared>>) target(%arg23 : memref<128xi32, #tpu.memory_space<vmem>>) target_semaphore(%run_scoped3A : memref<!tpu.dma_semaphore, #tpu.memory_space<semaphore_mem>>)
          %dma_wait3A_82 = arith.constant 0 : i32
          %dma_wait3A_83 = tpu.memref_slice %arg26[%dma_wait3A_82] : memref<256xi32, #tpu.memory_space<vmem_shared>> -> memref<128xi32, #tpu.memory_space<vmem_shared>>
          %dma_wait3A_84 = arith.constant 0 : i32
          %dma_wait3A_85 = tpu.memref_slice %arg26[%dma_wait3A_84] : memref<256xi32, #tpu.memory_space<vmem_shared>> -> memref<128xi32, #tpu.memory_space<vmem_shared>>
          tpu.wait_dma2 semaphore(%run_scoped3A : memref<!tpu.dma_semaphore, #tpu.memory_space<semaphore_mem>>) src(%dma_wait3A_85 : memref<128xi32, #tpu.memory_space<vmem_shared>>) dst(%arg23 : memref<128xi32, #tpu.memory_space<vmem>>)
          tpu.yield
        }) : () -> ()
        %dma_start3A = arith.constant 0 : i32
        %dma_start3A_76 = tpu.memref_slice %arg5[%dma_start3A] : memref<200000xi32, #tpu.memory_space<hbm>> -> memref<200000xi32, #tpu.memory_space<hbm>>
        tpu.enqueue_indirect_dma source(%dma_start3A_76 : memref<200000xi32, #tpu.memory_space<hbm>>) target(%arg24 : memref<128xi32, #tpu.memory_space<vmem>>) offsets(%arg23 : memref<128xi32, #tpu.memory_space<vmem>>) semaphore(%arg27 : memref<!tpu.dma_semaphore, #tpu.memory_space<semaphore_mem>>)
        %dma_wait3A = arith.constant 0 : i32
        %dma_wait3A_77 = tpu.memref_slice %arg5[%dma_wait3A] : memref<200000xi32, #tpu.memory_space<hbm>> -> memref<200000xi32, #tpu.memory_space<hbm>>
        tpu.wait_indirect_dma semaphore(%arg27 : memref<!tpu.dma_semaphore, #tpu.memory_space<semaphore_mem>>) src(%dma_wait3A_77 : memref<200000xi32, #tpu.memory_space<hbm>>) dst(%arg24 : memref<128xi32, #tpu.memory_space<vmem>>)
        "tpu.region"() ({
          %run_scoped3A = tpu.sem_alloc : memref<!tpu.dma_semaphore, #tpu.memory_space<semaphore_mem>>
          %dma_start3A_78 = arith.constant 0 : i32
          %dma_start3A_79 = tpu.memref_slice %arg16[%dma_start3A_78] : memref<256xi32, #tpu.memory_space<hbm>> -> memref<128xi32, #tpu.memory_space<hbm>>
          %dma_start3A_80 = arith.constant 0 : i32
          %dma_start3A_81 = tpu.memref_slice %arg16[%dma_start3A_80] : memref<256xi32, #tpu.memory_space<hbm>> -> memref<128xi32, #tpu.memory_space<hbm>>
          tpu.enqueue_dma source(%arg24 : memref<128xi32, #tpu.memory_space<vmem>>) target(%dma_start3A_81 : memref<128xi32, #tpu.memory_space<hbm>>) target_semaphore(%run_scoped3A : memref<!tpu.dma_semaphore, #tpu.memory_space<semaphore_mem>>)
          %dma_wait3A_82 = arith.constant 0 : i32
          %dma_wait3A_83 = tpu.memref_slice %arg16[%dma_wait3A_82] : memref<256xi32, #tpu.memory_space<hbm>> -> memref<128xi32, #tpu.memory_space<hbm>>
          %dma_wait3A_84 = arith.constant 0 : i32
          %dma_wait3A_85 = tpu.memref_slice %arg16[%dma_wait3A_84] : memref<256xi32, #tpu.memory_space<hbm>> -> memref<128xi32, #tpu.memory_space<hbm>>
          tpu.wait_dma2 semaphore(%run_scoped3A : memref<!tpu.dma_semaphore, #tpu.memory_space<semaphore_mem>>) src(%arg24 : memref<128xi32, #tpu.memory_space<vmem>>) dst(%dma_wait3A_85 : memref<128xi32, #tpu.memory_space<hbm>>)
          tpu.yield
        }) : () -> ()
      } else {
      }
      %eq3A_11 = arith.constant 1 : i32
      %eq3A_12 = arith.cmpi eq, %arg1, %eq3A_11 : i32
      %convert_element_type3A_13 = arith.extui %eq3A_12 : i1 to i32
      %cond3A_14 = arith.constant 0 : i32
      %cond3A_15 = arith.cmpi ne, %convert_element_type3A_13, %cond3A_14 : i32
      scf.if %cond3A_15 {
        "tpu.region"() ({
          %run_scoped3A = tpu.sem_alloc : memref<!tpu.dma_semaphore, #tpu.memory_space<semaphore_mem>>
          %dma_start3A_78 = arith.constant 128 : i32
          %dma_start3A_79 = tpu.memref_slice %arg26[%dma_start3A_78] : memref<256xi32, #tpu.memory_space<vmem_shared>> -> memref<128xi32, #tpu.memory_space<vmem_shared>>
          %dma_start3A_80 = arith.constant 128 : i32
          %dma_start3A_81 = tpu.memref_slice %arg26[%dma_start3A_80] : memref<256xi32, #tpu.memory_space<vmem_shared>> -> memref<128xi32, #tpu.memory_space<vmem_shared>>
          tpu.enqueue_dma source(%dma_start3A_81 : memref<128xi32, #tpu.memory_space<vmem_shared>>) target(%arg23 : memref<128xi32, #tpu.memory_space<vmem>>) target_semaphore(%run_scoped3A : memref<!tpu.dma_semaphore, #tpu.memory_space<semaphore_mem>>)
          %dma_wait3A_82 = arith.constant 128 : i32
          %dma_wait3A_83 = tpu.memref_slice %arg26[%dma_wait3A_82] : memref<256xi32, #tpu.memory_space<vmem_shared>> -> memref<128xi32, #tpu.memory_space<vmem_shared>>
          %dma_wait3A_84 = arith.constant 128 : i32
          %dma_wait3A_85 = tpu.memref_slice %arg26[%dma_wait3A_84] : memref<256xi32, #tpu.memory_space<vmem_shared>> -> memref<128xi32, #tpu.memory_space<vmem_shared>>
          tpu.wait_dma2 semaphore(%run_scoped3A : memref<!tpu.dma_semaphore, #tpu.memory_space<semaphore_mem>>) src(%dma_wait3A_85 : memref<128xi32, #tpu.memory_space<vmem_shared>>) dst(%arg23 : memref<128xi32, #tpu.memory_space<vmem>>)
          tpu.yield
        }) : () -> ()
        %dma_start3A = arith.constant 0 : i32
        %dma_start3A_76 = tpu.memref_slice %arg5[%dma_start3A] : memref<200000xi32, #tpu.memory_space<hbm>> -> memref<200000xi32, #tpu.memory_space<hbm>>
        tpu.enqueue_indirect_dma source(%dma_start3A_76 : memref<200000xi32, #tpu.memory_space<hbm>>) target(%arg24 : memref<128xi32, #tpu.memory_space<vmem>>) offsets(%arg23 : memref<128xi32, #tpu.memory_space<vmem>>) semaphore(%arg27 : memref<!tpu.dma_semaphore, #tpu.memory_space<semaphore_mem>>)
        %dma_wait3A = arith.constant 0 : i32
        %dma_wait3A_77 = tpu.memref_slice %arg5[%dma_wait3A] : memref<200000xi32, #tpu.memory_space<hbm>> -> memref<200000xi32, #tpu.memory_space<hbm>>
        tpu.wait_indirect_dma semaphore(%arg27 : memref<!tpu.dma_semaphore, #tpu.memory_space<semaphore_mem>>) src(%dma_wait3A_77 : memref<200000xi32, #tpu.memory_space<hbm>>) dst(%arg24 : memref<128xi32, #tpu.memory_space<vmem>>)
        "tpu.region"() ({
          %run_scoped3A = tpu.sem_alloc : memref<!tpu.dma_semaphore, #tpu.memory_space<semaphore_mem>>
          %dma_start3A_78 = arith.constant 128 : i32
          %dma_start3A_79 = tpu.memref_slice %arg16[%dma_start3A_78] : memref<256xi32, #tpu.memory_space<hbm>> -> memref<128xi32, #tpu.memory_space<hbm>>
          %dma_start3A_80 = arith.constant 128 : i32
          %dma_start3A_81 = tpu.memref_slice %arg16[%dma_start3A_80] : memref<256xi32, #tpu.memory_space<hbm>> -> memref<128xi32, #tpu.memory_space<hbm>>
          tpu.enqueue_dma source(%arg24 : memref<128xi32, #tpu.memory_space<vmem>>) target(%dma_start3A_81 : memref<128xi32, #tpu.memory_space<hbm>>) target_semaphore(%run_scoped3A : memref<!tpu.dma_semaphore, #tpu.memory_space<semaphore_mem>>)
          %dma_wait3A_82 = arith.constant 128 : i32
          %dma_wait3A_83 = tpu.memref_slice %arg16[%dma_wait3A_82] : memref<256xi32, #tpu.memory_space<hbm>> -> memref<128xi32, #tpu.memory_space<hbm>>
          %dma_wait3A_84 = arith.constant 128 : i32
          %dma_wait3A_85 = tpu.memref_slice %arg16[%dma_wait3A_84] : memref<256xi32, #tpu.memory_space<hbm>> -> memref<128xi32, #tpu.memory_space<hbm>>
          tpu.wait_dma2 semaphore(%run_scoped3A : memref<!tpu.dma_semaphore, #tpu.memory_space<semaphore_mem>>) src(%arg24 : memref<128xi32, #tpu.memory_space<vmem>>) dst(%dma_wait3A_85 : memref<128xi32, #tpu.memory_space<hbm>>)
          tpu.yield
        }) : () -> ()
      } else {
      }
      %eq3A_16 = arith.constant 2 : i32
      %eq3A_17 = arith.cmpi eq, %arg1, %eq3A_16 : i32
      %convert_element_type3A_18 = arith.extui %eq3A_17 : i1 to i32
      %cond3A_19 = arith.constant 0 : i32
      %cond3A_20 = arith.cmpi ne, %convert_element_type3A_18, %cond3A_19 : i32
      scf.if %cond3A_20 {
        "tpu.region"() ({
          %run_scoped3A = tpu.sem_alloc : memref<!tpu.dma_semaphore, #tpu.memory_space<semaphore_mem>>
          %dma_start3A_78 = arith.constant 0 : i32
          %dma_start3A_79 = tpu.memref_slice %arg26[%dma_start3A_78] : memref<256xi32, #tpu.memory_space<vmem_shared>> -> memref<128xi32, #tpu.memory_space<vmem_shared>>
          %dma_start3A_80 = arith.constant 0 : i32
          %dma_start3A_81 = tpu.memref_slice %arg26[%dma_start3A_80] : memref<256xi32, #tpu.memory_space<vmem_shared>> -> memref<128xi32, #tpu.memory_space<vmem_shared>>
          tpu.enqueue_dma source(%dma_start3A_81 : memref<128xi32, #tpu.memory_space<vmem_shared>>) target(%arg23 : memref<128xi32, #tpu.memory_space<vmem>>) target_semaphore(%run_scoped3A : memref<!tpu.dma_semaphore, #tpu.memory_space<semaphore_mem>>)
          %dma_wait3A_82 = arith.constant 0 : i32
          %dma_wait3A_83 = tpu.memref_slice %arg26[%dma_wait3A_82] : memref<256xi32, #tpu.memory_space<vmem_shared>> -> memref<128xi32, #tpu.memory_space<vmem_shared>>
          %dma_wait3A_84 = arith.constant 0 : i32
          %dma_wait3A_85 = tpu.memref_slice %arg26[%dma_wait3A_84] : memref<256xi32, #tpu.memory_space<vmem_shared>> -> memref<128xi32, #tpu.memory_space<vmem_shared>>
          tpu.wait_dma2 semaphore(%run_scoped3A : memref<!tpu.dma_semaphore, #tpu.memory_space<semaphore_mem>>) src(%dma_wait3A_85 : memref<128xi32, #tpu.memory_space<vmem_shared>>) dst(%arg23 : memref<128xi32, #tpu.memory_space<vmem>>)
          tpu.yield
        }) : () -> ()
        %dma_start3A = arith.constant 0 : i32
        %dma_start3A_76 = tpu.memref_slice %arg6[%dma_start3A] : memref<200000xf32, #tpu.memory_space<hbm>> -> memref<200000xf32, #tpu.memory_space<hbm>>
        tpu.enqueue_indirect_dma source(%dma_start3A_76 : memref<200000xf32, #tpu.memory_space<hbm>>) target(%arg25 : memref<128xf32, #tpu.memory_space<vmem>>) offsets(%arg23 : memref<128xi32, #tpu.memory_space<vmem>>) semaphore(%arg27 : memref<!tpu.dma_semaphore, #tpu.memory_space<semaphore_mem>>)
        %dma_wait3A = arith.constant 0 : i32
        %dma_wait3A_77 = tpu.memref_slice %arg6[%dma_wait3A] : memref<200000xf32, #tpu.memory_space<hbm>> -> memref<200000xf32, #tpu.memory_space<hbm>>
        tpu.wait_indirect_dma semaphore(%arg27 : memref<!tpu.dma_semaphore, #tpu.memory_space<semaphore_mem>>) src(%dma_wait3A_77 : memref<200000xf32, #tpu.memory_space<hbm>>) dst(%arg25 : memref<128xf32, #tpu.memory_space<vmem>>)
        "tpu.region"() ({
          %run_scoped3A = tpu.sem_alloc : memref<!tpu.dma_semaphore, #tpu.memory_space<semaphore_mem>>
          %dma_start3A_78 = arith.constant 0 : i32
          %dma_start3A_79 = tpu.memref_slice %arg17[%dma_start3A_78] : memref<512xf32, #tpu.memory_space<hbm>> -> memref<128xf32, #tpu.memory_space<hbm>>
          %dma_start3A_80 = arith.constant 0 : i32
          %dma_start3A_81 = tpu.memref_slice %arg17[%dma_start3A_80] : memref<512xf32, #tpu.memory_space<hbm>> -> memref<128xf32, #tpu.memory_space<hbm>>
          tpu.enqueue_dma source(%arg25 : memref<128xf32, #tpu.memory_space<vmem>>) target(%dma_start3A_81 : memref<128xf32, #tpu.memory_space<hbm>>) target_semaphore(%run_scoped3A : memref<!tpu.dma_semaphore, #tpu.memory_space<semaphore_mem>>)
          %dma_wait3A_82 = arith.constant 0 : i32
          %dma_wait3A_83 = tpu.memref_slice %arg17[%dma_wait3A_82] : memref<512xf32, #tpu.memory_space<hbm>> -> memref<128xf32, #tpu.memory_space<hbm>>
          %dma_wait3A_84 = arith.constant 0 : i32
          %dma_wait3A_85 = tpu.memref_slice %arg17[%dma_wait3A_84] : memref<512xf32, #tpu.memory_space<hbm>> -> memref<128xf32, #tpu.memory_space<hbm>>
          tpu.wait_dma2 semaphore(%run_scoped3A : memref<!tpu.dma_semaphore, #tpu.memory_space<semaphore_mem>>) src(%arg25 : memref<128xf32, #tpu.memory_space<vmem>>) dst(%dma_wait3A_85 : memref<128xf32, #tpu.memory_space<hbm>>)
          tpu.yield
        }) : () -> ()
      } else {
      }
      %eq3A_21 = arith.constant 3 : i32
      %eq3A_22 = arith.cmpi eq, %arg1, %eq3A_21 : i32
      %convert_element_type3A_23 = arith.extui %eq3A_22 : i1 to i32
      %cond3A_24 = arith.constant 0 : i32
      %cond3A_25 = arith.cmpi ne, %convert_element_type3A_23, %cond3A_24 : i32
      scf.if %cond3A_25 {
        "tpu.region"() ({
          %run_scoped3A = tpu.sem_alloc : memref<!tpu.dma_semaphore, #tpu.memory_space<semaphore_mem>>
          %dma_start3A_78 = arith.constant 128 : i32
          %dma_start3A_79 = tpu.memref_slice %arg26[%dma_start3A_78] : memref<256xi32, #tpu.memory_space<vmem_shared>> -> memref<128xi32, #tpu.memory_space<vmem_shared>>
          %dma_start3A_80 = arith.constant 128 : i32
          %dma_start3A_81 = tpu.memref_slice %arg26[%dma_start3A_80] : memref<256xi32, #tpu.memory_space<vmem_shared>> -> memref<128xi32, #tpu.memory_space<vmem_shared>>
          tpu.enqueue_dma source(%dma_start3A_81 : memref<128xi32, #tpu.memory_space<vmem_shared>>) target(%arg23 : memref<128xi32, #tpu.memory_space<vmem>>) target_semaphore(%run_scoped3A : memref<!tpu.dma_semaphore, #tpu.memory_space<semaphore_mem>>)
          %dma_wait3A_82 = arith.constant 128 : i32
          %dma_wait3A_83 = tpu.memref_slice %arg26[%dma_wait3A_82] : memref<256xi32, #tpu.memory_space<vmem_shared>> -> memref<128xi32, #tpu.memory_space<vmem_shared>>
          %dma_wait3A_84 = arith.constant 128 : i32
          %dma_wait3A_85 = tpu.memref_slice %arg26[%dma_wait3A_84] : memref<256xi32, #tpu.memory_space<vmem_shared>> -> memref<128xi32, #tpu.memory_space<vmem_shared>>
          tpu.wait_dma2 semaphore(%run_scoped3A : memref<!tpu.dma_semaphore, #tpu.memory_space<semaphore_mem>>) src(%dma_wait3A_85 : memref<128xi32, #tpu.memory_space<vmem_shared>>) dst(%arg23 : memref<128xi32, #tpu.memory_space<vmem>>)
          tpu.yield
        }) : () -> ()
        %dma_start3A = arith.constant 0 : i32
        %dma_start3A_76 = tpu.memref_slice %arg6[%dma_start3A] : memref<200000xf32, #tpu.memory_space<hbm>> -> memref<200000xf32, #tpu.memory_space<hbm>>
        tpu.enqueue_indirect_dma source(%dma_start3A_76 : memref<200000xf32, #tpu.memory_space<hbm>>) target(%arg25 : memref<128xf32, #tpu.memory_space<vmem>>) offsets(%arg23 : memref<128xi32, #tpu.memory_space<vmem>>) semaphore(%arg27 : memref<!tpu.dma_semaphore, #tpu.memory_space<semaphore_mem>>)
        %dma_wait3A = arith.constant 0 : i32
        %dma_wait3A_77 = tpu.memref_slice %arg6[%dma_wait3A] : memref<200000xf32, #tpu.memory_space<hbm>> -> memref<200000xf32, #tpu.memory_space<hbm>>
        tpu.wait_indirect_dma semaphore(%arg27 : memref<!tpu.dma_semaphore, #tpu.memory_space<semaphore_mem>>) src(%dma_wait3A_77 : memref<200000xf32, #tpu.memory_space<hbm>>) dst(%arg25 : memref<128xf32, #tpu.memory_space<vmem>>)
        "tpu.region"() ({
          %run_scoped3A = tpu.sem_alloc : memref<!tpu.dma_semaphore, #tpu.memory_space<semaphore_mem>>
          %dma_start3A_78 = arith.constant 128 : i32
          %dma_start3A_79 = tpu.memref_slice %arg17[%dma_start3A_78] : memref<512xf32, #tpu.memory_space<hbm>> -> memref<128xf32, #tpu.memory_space<hbm>>
          %dma_start3A_80 = arith.constant 128 : i32
          %dma_start3A_81 = tpu.memref_slice %arg17[%dma_start3A_80] : memref<512xf32, #tpu.memory_space<hbm>> -> memref<128xf32, #tpu.memory_space<hbm>>
          tpu.enqueue_dma source(%arg25 : memref<128xf32, #tpu.memory_space<vmem>>) target(%dma_start3A_81 : memref<128xf32, #tpu.memory_space<hbm>>) target_semaphore(%run_scoped3A : memref<!tpu.dma_semaphore, #tpu.memory_space<semaphore_mem>>)
          %dma_wait3A_82 = arith.constant 128 : i32
          %dma_wait3A_83 = tpu.memref_slice %arg17[%dma_wait3A_82] : memref<512xf32, #tpu.memory_space<hbm>> -> memref<128xf32, #tpu.memory_space<hbm>>
          %dma_wait3A_84 = arith.constant 128 : i32
          %dma_wait3A_85 = tpu.memref_slice %arg17[%dma_wait3A_84] : memref<512xf32, #tpu.memory_space<hbm>> -> memref<128xf32, #tpu.memory_space<hbm>>
          tpu.wait_dma2 semaphore(%run_scoped3A : memref<!tpu.dma_semaphore, #tpu.memory_space<semaphore_mem>>) src(%arg25 : memref<128xf32, #tpu.memory_space<vmem>>) dst(%dma_wait3A_85 : memref<128xf32, #tpu.memory_space<hbm>>)
          tpu.yield
        }) : () -> ()
      } else {
      }
      %eq3A_26 = arith.constant 4 : i32
      %eq3A_27 = arith.cmpi eq, %arg1, %eq3A_26 : i32
      %convert_element_type3A_28 = arith.extui %eq3A_27 : i1 to i32
      %cond3A_29 = arith.constant 0 : i32
      %cond3A_30 = arith.cmpi ne, %convert_element_type3A_28, %cond3A_29 : i32
      scf.if %cond3A_30 {
        "tpu.region"() ({
          %run_scoped3A = tpu.sem_alloc : memref<!tpu.dma_semaphore, #tpu.memory_space<semaphore_mem>>
          %dma_start3A_78 = arith.constant 0 : i32
          %dma_start3A_79 = tpu.memref_slice %arg26[%dma_start3A_78] : memref<256xi32, #tpu.memory_space<vmem_shared>> -> memref<128xi32, #tpu.memory_space<vmem_shared>>
          %dma_start3A_80 = arith.constant 0 : i32
          %dma_start3A_81 = tpu.memref_slice %arg26[%dma_start3A_80] : memref<256xi32, #tpu.memory_space<vmem_shared>> -> memref<128xi32, #tpu.memory_space<vmem_shared>>
          tpu.enqueue_dma source(%dma_start3A_81 : memref<128xi32, #tpu.memory_space<vmem_shared>>) target(%arg23 : memref<128xi32, #tpu.memory_space<vmem>>) target_semaphore(%run_scoped3A : memref<!tpu.dma_semaphore, #tpu.memory_space<semaphore_mem>>)
          %dma_wait3A_82 = arith.constant 0 : i32
          %dma_wait3A_83 = tpu.memref_slice %arg26[%dma_wait3A_82] : memref<256xi32, #tpu.memory_space<vmem_shared>> -> memref<128xi32, #tpu.memory_space<vmem_shared>>
          %dma_wait3A_84 = arith.constant 0 : i32
          %dma_wait3A_85 = tpu.memref_slice %arg26[%dma_wait3A_84] : memref<256xi32, #tpu.memory_space<vmem_shared>> -> memref<128xi32, #tpu.memory_space<vmem_shared>>
          tpu.wait_dma2 semaphore(%run_scoped3A : memref<!tpu.dma_semaphore, #tpu.memory_space<semaphore_mem>>) src(%dma_wait3A_85 : memref<128xi32, #tpu.memory_space<vmem_shared>>) dst(%arg23 : memref<128xi32, #tpu.memory_space<vmem>>)
          tpu.yield
        }) : () -> ()
        %dma_start3A = arith.constant 0 : i32
        %dma_start3A_76 = tpu.memref_slice %arg7[%dma_start3A] : memref<200000xf32, #tpu.memory_space<hbm>> -> memref<200000xf32, #tpu.memory_space<hbm>>
        tpu.enqueue_indirect_dma source(%dma_start3A_76 : memref<200000xf32, #tpu.memory_space<hbm>>) target(%arg25 : memref<128xf32, #tpu.memory_space<vmem>>) offsets(%arg23 : memref<128xi32, #tpu.memory_space<vmem>>) semaphore(%arg27 : memref<!tpu.dma_semaphore, #tpu.memory_space<semaphore_mem>>)
        %dma_wait3A = arith.constant 0 : i32
        %dma_wait3A_77 = tpu.memref_slice %arg7[%dma_wait3A] : memref<200000xf32, #tpu.memory_space<hbm>> -> memref<200000xf32, #tpu.memory_space<hbm>>
        tpu.wait_indirect_dma semaphore(%arg27 : memref<!tpu.dma_semaphore, #tpu.memory_space<semaphore_mem>>) src(%dma_wait3A_77 : memref<200000xf32, #tpu.memory_space<hbm>>) dst(%arg25 : memref<128xf32, #tpu.memory_space<vmem>>)
        "tpu.region"() ({
          %run_scoped3A = tpu.sem_alloc : memref<!tpu.dma_semaphore, #tpu.memory_space<semaphore_mem>>
          %dma_start3A_78 = arith.constant 256 : i32
          %dma_start3A_79 = tpu.memref_slice %arg17[%dma_start3A_78] : memref<512xf32, #tpu.memory_space<hbm>> -> memref<128xf32, #tpu.memory_space<hbm>>
          %dma_start3A_80 = arith.constant 256 : i32
          %dma_start3A_81 = tpu.memref_slice %arg17[%dma_start3A_80] : memref<512xf32, #tpu.memory_space<hbm>> -> memref<128xf32, #tpu.memory_space<hbm>>
          tpu.enqueue_dma source(%arg25 : memref<128xf32, #tpu.memory_space<vmem>>) target(%dma_start3A_81 : memref<128xf32, #tpu.memory_space<hbm>>) target_semaphore(%run_scoped3A : memref<!tpu.dma_semaphore, #tpu.memory_space<semaphore_mem>>)
          %dma_wait3A_82 = arith.constant 256 : i32
          %dma_wait3A_83 = tpu.memref_slice %arg17[%dma_wait3A_82] : memref<512xf32, #tpu.memory_space<hbm>> -> memref<128xf32, #tpu.memory_space<hbm>>
          %dma_wait3A_84 = arith.constant 256 : i32
          %dma_wait3A_85 = tpu.memref_slice %arg17[%dma_wait3A_84] : memref<512xf32, #tpu.memory_space<hbm>> -> memref<128xf32, #tpu.memory_space<hbm>>
          tpu.wait_dma2 semaphore(%run_scoped3A : memref<!tpu.dma_semaphore, #tpu.memory_space<semaphore_mem>>) src(%arg25 : memref<128xf32, #tpu.memory_space<vmem>>) dst(%dma_wait3A_85 : memref<128xf32, #tpu.memory_space<hbm>>)
          tpu.yield
        }) : () -> ()
      } else {
      }
      %eq3A_31 = arith.constant 5 : i32
      %eq3A_32 = arith.cmpi eq, %arg1, %eq3A_31 : i32
      %convert_element_type3A_33 = arith.extui %eq3A_32 : i1 to i32
      %cond3A_34 = arith.constant 0 : i32
      %cond3A_35 = arith.cmpi ne, %convert_element_type3A_33, %cond3A_34 : i32
      scf.if %cond3A_35 {
        "tpu.region"() ({
          %run_scoped3A = tpu.sem_alloc : memref<!tpu.dma_semaphore, #tpu.memory_space<semaphore_mem>>
          %dma_start3A_78 = arith.constant 128 : i32
          %dma_start3A_79 = tpu.memref_slice %arg26[%dma_start3A_78] : memref<256xi32, #tpu.memory_space<vmem_shared>> -> memref<128xi32, #tpu.memory_space<vmem_shared>>
          %dma_start3A_80 = arith.constant 128 : i32
          %dma_start3A_81 = tpu.memref_slice %arg26[%dma_start3A_80] : memref<256xi32, #tpu.memory_space<vmem_shared>> -> memref<128xi32, #tpu.memory_space<vmem_shared>>
          tpu.enqueue_dma source(%dma_start3A_81 : memref<128xi32, #tpu.memory_space<vmem_shared>>) target(%arg23 : memref<128xi32, #tpu.memory_space<vmem>>) target_semaphore(%run_scoped3A : memref<!tpu.dma_semaphore, #tpu.memory_space<semaphore_mem>>)
          %dma_wait3A_82 = arith.constant 128 : i32
          %dma_wait3A_83 = tpu.memref_slice %arg26[%dma_wait3A_82] : memref<256xi32, #tpu.memory_space<vmem_shared>> -> memref<128xi32, #tpu.memory_space<vmem_shared>>
          %dma_wait3A_84 = arith.constant 128 : i32
          %dma_wait3A_85 = tpu.memref_slice %arg26[%dma_wait3A_84] : memref<256xi32, #tpu.memory_space<vmem_shared>> -> memref<128xi32, #tpu.memory_space<vmem_shared>>
          tpu.wait_dma2 semaphore(%run_scoped3A : memref<!tpu.dma_semaphore, #tpu.memory_space<semaphore_mem>>) src(%dma_wait3A_85 : memref<128xi32, #tpu.memory_space<vmem_shared>>) dst(%arg23 : memref<128xi32, #tpu.memory_space<vmem>>)
          tpu.yield
        }) : () -> ()
        %dma_start3A = arith.constant 0 : i32
        %dma_start3A_76 = tpu.memref_slice %arg7[%dma_start3A] : memref<200000xf32, #tpu.memory_space<hbm>> -> memref<200000xf32, #tpu.memory_space<hbm>>
        tpu.enqueue_indirect_dma source(%dma_start3A_76 : memref<200000xf32, #tpu.memory_space<hbm>>) target(%arg25 : memref<128xf32, #tpu.memory_space<vmem>>) offsets(%arg23 : memref<128xi32, #tpu.memory_space<vmem>>) semaphore(%arg27 : memref<!tpu.dma_semaphore, #tpu.memory_space<semaphore_mem>>)
        %dma_wait3A = arith.constant 0 : i32
        %dma_wait3A_77 = tpu.memref_slice %arg7[%dma_wait3A] : memref<200000xf32, #tpu.memory_space<hbm>> -> memref<200000xf32, #tpu.memory_space<hbm>>
        tpu.wait_indirect_dma semaphore(%arg27 : memref<!tpu.dma_semaphore, #tpu.memory_space<semaphore_mem>>) src(%dma_wait3A_77 : memref<200000xf32, #tpu.memory_space<hbm>>) dst(%arg25 : memref<128xf32, #tpu.memory_space<vmem>>)
        "tpu.region"() ({
          %run_scoped3A = tpu.sem_alloc : memref<!tpu.dma_semaphore, #tpu.memory_space<semaphore_mem>>
          %dma_start3A_78 = arith.constant 384 : i32
          %dma_start3A_79 = tpu.memref_slice %arg17[%dma_start3A_78] : memref<512xf32, #tpu.memory_space<hbm>> -> memref<128xf32, #tpu.memory_space<hbm>>
          %dma_start3A_80 = arith.constant 384 : i32
          %dma_start3A_81 = tpu.memref_slice %arg17[%dma_start3A_80] : memref<512xf32, #tpu.memory_space<hbm>> -> memref<128xf32, #tpu.memory_space<hbm>>
          tpu.enqueue_dma source(%arg25 : memref<128xf32, #tpu.memory_space<vmem>>) target(%dma_start3A_81 : memref<128xf32, #tpu.memory_space<hbm>>) target_semaphore(%run_scoped3A : memref<!tpu.dma_semaphore, #tpu.memory_space<semaphore_mem>>)
          %dma_wait3A_82 = arith.constant 384 : i32
          %dma_wait3A_83 = tpu.memref_slice %arg17[%dma_wait3A_82] : memref<512xf32, #tpu.memory_space<hbm>> -> memref<128xf32, #tpu.memory_space<hbm>>
          %dma_wait3A_84 = arith.constant 384 : i32
          %dma_wait3A_85 = tpu.memref_slice %arg17[%dma_wait3A_84] : memref<512xf32, #tpu.memory_space<hbm>> -> memref<128xf32, #tpu.memory_space<hbm>>
          tpu.wait_dma2 semaphore(%run_scoped3A : memref<!tpu.dma_semaphore, #tpu.memory_space<semaphore_mem>>) src(%arg25 : memref<128xf32, #tpu.memory_space<vmem>>) dst(%dma_wait3A_85 : memref<128xf32, #tpu.memory_space<hbm>>)
          tpu.yield
        }) : () -> ()
      } else {
      }
      %eq3A_36 = arith.constant 6 : i32
      %eq3A_37 = arith.cmpi eq, %arg1, %eq3A_36 : i32
      %convert_element_type3A_38 = arith.extui %eq3A_37 : i1 to i32
      %cond3A_39 = arith.constant 0 : i32
      %cond3A_40 = arith.cmpi ne, %convert_element_type3A_38, %cond3A_39 : i32
      scf.if %cond3A_40 {
        "tpu.region"() ({
          %run_scoped3A = tpu.sem_alloc : memref<!tpu.dma_semaphore, #tpu.memory_space<semaphore_mem>>
          %dma_start3A_78 = arith.constant 0 : i32
          %dma_start3A_79 = tpu.memref_slice %arg26[%dma_start3A_78] : memref<256xi32, #tpu.memory_space<vmem_shared>> -> memref<128xi32, #tpu.memory_space<vmem_shared>>
          %dma_start3A_80 = arith.constant 0 : i32
          %dma_start3A_81 = tpu.memref_slice %arg26[%dma_start3A_80] : memref<256xi32, #tpu.memory_space<vmem_shared>> -> memref<128xi32, #tpu.memory_space<vmem_shared>>
          tpu.enqueue_dma source(%dma_start3A_81 : memref<128xi32, #tpu.memory_space<vmem_shared>>) target(%arg23 : memref<128xi32, #tpu.memory_space<vmem>>) target_semaphore(%run_scoped3A : memref<!tpu.dma_semaphore, #tpu.memory_space<semaphore_mem>>)
          %dma_wait3A_82 = arith.constant 0 : i32
          %dma_wait3A_83 = tpu.memref_slice %arg26[%dma_wait3A_82] : memref<256xi32, #tpu.memory_space<vmem_shared>> -> memref<128xi32, #tpu.memory_space<vmem_shared>>
          %dma_wait3A_84 = arith.constant 0 : i32
          %dma_wait3A_85 = tpu.memref_slice %arg26[%dma_wait3A_84] : memref<256xi32, #tpu.memory_space<vmem_shared>> -> memref<128xi32, #tpu.memory_space<vmem_shared>>
          tpu.wait_dma2 semaphore(%run_scoped3A : memref<!tpu.dma_semaphore, #tpu.memory_space<semaphore_mem>>) src(%dma_wait3A_85 : memref<128xi32, #tpu.memory_space<vmem_shared>>) dst(%arg23 : memref<128xi32, #tpu.memory_space<vmem>>)
          tpu.yield
        }) : () -> ()
        %dma_start3A = arith.constant 0 : i32
        %dma_start3A_76 = tpu.memref_slice %arg8[%dma_start3A] : memref<200000xf32, #tpu.memory_space<hbm>> -> memref<200000xf32, #tpu.memory_space<hbm>>
        tpu.enqueue_indirect_dma source(%dma_start3A_76 : memref<200000xf32, #tpu.memory_space<hbm>>) target(%arg25 : memref<128xf32, #tpu.memory_space<vmem>>) offsets(%arg23 : memref<128xi32, #tpu.memory_space<vmem>>) semaphore(%arg27 : memref<!tpu.dma_semaphore, #tpu.memory_space<semaphore_mem>>)
        %dma_wait3A = arith.constant 0 : i32
        %dma_wait3A_77 = tpu.memref_slice %arg8[%dma_wait3A] : memref<200000xf32, #tpu.memory_space<hbm>> -> memref<200000xf32, #tpu.memory_space<hbm>>
        tpu.wait_indirect_dma semaphore(%arg27 : memref<!tpu.dma_semaphore, #tpu.memory_space<semaphore_mem>>) src(%dma_wait3A_77 : memref<200000xf32, #tpu.memory_space<hbm>>) dst(%arg25 : memref<128xf32, #tpu.memory_space<vmem>>)
        "tpu.region"() ({
          %run_scoped3A = tpu.sem_alloc : memref<!tpu.dma_semaphore, #tpu.memory_space<semaphore_mem>>
          %dma_start3A_78 = arith.constant 0 : i32
          %dma_start3A_79 = tpu.memref_slice %arg18[%dma_start3A_78] : memref<512xf32, #tpu.memory_space<hbm>> -> memref<128xf32, #tpu.memory_space<hbm>>
          %dma_start3A_80 = arith.constant 0 : i32
          %dma_start3A_81 = tpu.memref_slice %arg18[%dma_start3A_80] : memref<512xf32, #tpu.memory_space<hbm>> -> memref<128xf32, #tpu.memory_space<hbm>>
          tpu.enqueue_dma source(%arg25 : memref<128xf32, #tpu.memory_space<vmem>>) target(%dma_start3A_81 : memref<128xf32, #tpu.memory_space<hbm>>) target_semaphore(%run_scoped3A : memref<!tpu.dma_semaphore, #tpu.memory_space<semaphore_mem>>)
          %dma_wait3A_82 = arith.constant 0 : i32
          %dma_wait3A_83 = tpu.memref_slice %arg18[%dma_wait3A_82] : memref<512xf32, #tpu.memory_space<hbm>> -> memref<128xf32, #tpu.memory_space<hbm>>
          %dma_wait3A_84 = arith.constant 0 : i32
          %dma_wait3A_85 = tpu.memref_slice %arg18[%dma_wait3A_84] : memref<512xf32, #tpu.memory_space<hbm>> -> memref<128xf32, #tpu.memory_space<hbm>>
          tpu.wait_dma2 semaphore(%run_scoped3A : memref<!tpu.dma_semaphore, #tpu.memory_space<semaphore_mem>>) src(%arg25 : memref<128xf32, #tpu.memory_space<vmem>>) dst(%dma_wait3A_85 : memref<128xf32, #tpu.memory_space<hbm>>)
          tpu.yield
        }) : () -> ()
      } else {
      }
      %eq3A_41 = arith.constant 7 : i32
      %eq3A_42 = arith.cmpi eq, %arg1, %eq3A_41 : i32
      %convert_element_type3A_43 = arith.extui %eq3A_42 : i1 to i32
      %cond3A_44 = arith.constant 0 : i32
      %cond3A_45 = arith.cmpi ne, %convert_element_type3A_43, %cond3A_44 : i32
      scf.if %cond3A_45 {
        "tpu.region"() ({
          %run_scoped3A = tpu.sem_alloc : memref<!tpu.dma_semaphore, #tpu.memory_space<semaphore_mem>>
          %dma_start3A_78 = arith.constant 0 : i32
          %dma_start3A_79 = tpu.memref_slice %arg26[%dma_start3A_78] : memref<256xi32, #tpu.memory_space<vmem_shared>> -> memref<128xi32, #tpu.memory_space<vmem_shared>>
          %dma_start3A_80 = arith.constant 0 : i32
          %dma_start3A_81 = tpu.memref_slice %arg26[%dma_start3A_80] : memref<256xi32, #tpu.memory_space<vmem_shared>> -> memref<128xi32, #tpu.memory_space<vmem_shared>>
          tpu.enqueue_dma source(%dma_start3A_81 : memref<128xi32, #tpu.memory_space<vmem_shared>>) target(%arg23 : memref<128xi32, #tpu.memory_space<vmem>>) target_semaphore(%run_scoped3A : memref<!tpu.dma_semaphore, #tpu.memory_space<semaphore_mem>>)
          %dma_wait3A_82 = arith.constant 0 : i32
          %dma_wait3A_83 = tpu.memref_slice %arg26[%dma_wait3A_82] : memref<256xi32, #tpu.memory_space<vmem_shared>> -> memref<128xi32, #tpu.memory_space<vmem_shared>>
          %dma_wait3A_84 = arith.constant 0 : i32
          %dma_wait3A_85 = tpu.memref_slice %arg26[%dma_wait3A_84] : memref<256xi32, #tpu.memory_space<vmem_shared>> -> memref<128xi32, #tpu.memory_space<vmem_shared>>
          tpu.wait_dma2 semaphore(%run_scoped3A : memref<!tpu.dma_semaphore, #tpu.memory_space<semaphore_mem>>) src(%dma_wait3A_85 : memref<128xi32, #tpu.memory_space<vmem_shared>>) dst(%arg23 : memref<128xi32, #tpu.memory_space<vmem>>)
          tpu.yield
        }) : () -> ()
        %dma_start3A = arith.constant 0 : i32
        %dma_start3A_76 = tpu.memref_slice %arg9[%dma_start3A] : memref<200000xf32, #tpu.memory_space<hbm>> -> memref<200000xf32, #tpu.memory_space<hbm>>
        tpu.enqueue_indirect_dma source(%dma_start3A_76 : memref<200000xf32, #tpu.memory_space<hbm>>) target(%arg25 : memref<128xf32, #tpu.memory_space<vmem>>) offsets(%arg23 : memref<128xi32, #tpu.memory_space<vmem>>) semaphore(%arg27 : memref<!tpu.dma_semaphore, #tpu.memory_space<semaphore_mem>>)
        %dma_wait3A = arith.constant 0 : i32
        %dma_wait3A_77 = tpu.memref_slice %arg9[%dma_wait3A] : memref<200000xf32, #tpu.memory_space<hbm>> -> memref<200000xf32, #tpu.memory_space<hbm>>
        tpu.wait_indirect_dma semaphore(%arg27 : memref<!tpu.dma_semaphore, #tpu.memory_space<semaphore_mem>>) src(%dma_wait3A_77 : memref<200000xf32, #tpu.memory_space<hbm>>) dst(%arg25 : memref<128xf32, #tpu.memory_space<vmem>>)
        "tpu.region"() ({
          %run_scoped3A = tpu.sem_alloc : memref<!tpu.dma_semaphore, #tpu.memory_space<semaphore_mem>>
          %dma_start3A_78 = arith.constant 128 : i32
          %dma_start3A_79 = tpu.memref_slice %arg18[%dma_start3A_78] : memref<512xf32, #tpu.memory_space<hbm>> -> memref<128xf32, #tpu.memory_space<hbm>>
          %dma_start3A_80 = arith.constant 128 : i32
          %dma_start3A_81 = tpu.memref_slice %arg18[%dma_start3A_80] : memref<512xf32, #tpu.memory_space<hbm>> -> memref<128xf32, #tpu.memory_space<hbm>>
          tpu.enqueue_dma source(%arg25 : memref<128xf32, #tpu.memory_space<vmem>>) target(%dma_start3A_81 : memref<128xf32, #tpu.memory_space<hbm>>) target_semaphore(%run_scoped3A : memref<!tpu.dma_semaphore, #tpu.memory_space<semaphore_mem>>)
          %dma_wait3A_82 = arith.constant 128 : i32
          %dma_wait3A_83 = tpu.memref_slice %arg18[%dma_wait3A_82] : memref<512xf32, #tpu.memory_space<hbm>> -> memref<128xf32, #tpu.memory_space<hbm>>
          %dma_wait3A_84 = arith.constant 128 : i32
          %dma_wait3A_85 = tpu.memref_slice %arg18[%dma_wait3A_84] : memref<512xf32, #tpu.memory_space<hbm>> -> memref<128xf32, #tpu.memory_space<hbm>>
          tpu.wait_dma2 semaphore(%run_scoped3A : memref<!tpu.dma_semaphore, #tpu.memory_space<semaphore_mem>>) src(%arg25 : memref<128xf32, #tpu.memory_space<vmem>>) dst(%dma_wait3A_85 : memref<128xf32, #tpu.memory_space<hbm>>)
          tpu.yield
        }) : () -> ()
      } else {
      }
      %eq3A_46 = arith.constant 8 : i32
      %eq3A_47 = arith.cmpi eq, %arg1, %eq3A_46 : i32
      %convert_element_type3A_48 = arith.extui %eq3A_47 : i1 to i32
      %cond3A_49 = arith.constant 0 : i32
      %cond3A_50 = arith.cmpi ne, %convert_element_type3A_48, %cond3A_49 : i32
      scf.if %cond3A_50 {
        "tpu.region"() ({
          %run_scoped3A = tpu.sem_alloc : memref<!tpu.dma_semaphore, #tpu.memory_space<semaphore_mem>>
          %dma_start3A_78 = arith.constant 0 : i32
          %dma_start3A_79 = tpu.memref_slice %arg26[%dma_start3A_78] : memref<256xi32, #tpu.memory_space<vmem_shared>> -> memref<128xi32, #tpu.memory_space<vmem_shared>>
          %dma_start3A_80 = arith.constant 0 : i32
          %dma_start3A_81 = tpu.memref_slice %arg26[%dma_start3A_80] : memref<256xi32, #tpu.memory_space<vmem_shared>> -> memref<128xi32, #tpu.memory_space<vmem_shared>>
          tpu.enqueue_dma source(%dma_start3A_81 : memref<128xi32, #tpu.memory_space<vmem_shared>>) target(%arg23 : memref<128xi32, #tpu.memory_space<vmem>>) target_semaphore(%run_scoped3A : memref<!tpu.dma_semaphore, #tpu.memory_space<semaphore_mem>>)
          %dma_wait3A_82 = arith.constant 0 : i32
          %dma_wait3A_83 = tpu.memref_slice %arg26[%dma_wait3A_82] : memref<256xi32, #tpu.memory_space<vmem_shared>> -> memref<128xi32, #tpu.memory_space<vmem_shared>>
          %dma_wait3A_84 = arith.constant 0 : i32
          %dma_wait3A_85 = tpu.memref_slice %arg26[%dma_wait3A_84] : memref<256xi32, #tpu.memory_space<vmem_shared>> -> memref<128xi32, #tpu.memory_space<vmem_shared>>
          tpu.wait_dma2 semaphore(%run_scoped3A : memref<!tpu.dma_semaphore, #tpu.memory_space<semaphore_mem>>) src(%dma_wait3A_85 : memref<128xi32, #tpu.memory_space<vmem_shared>>) dst(%arg23 : memref<128xi32, #tpu.memory_space<vmem>>)
          tpu.yield
        }) : () -> ()
        %dma_start3A = arith.constant 0 : i32
        %dma_start3A_76 = tpu.memref_slice %arg10[%dma_start3A] : memref<200000xf32, #tpu.memory_space<hbm>> -> memref<200000xf32, #tpu.memory_space<hbm>>
        tpu.enqueue_indirect_dma source(%dma_start3A_76 : memref<200000xf32, #tpu.memory_space<hbm>>) target(%arg25 : memref<128xf32, #tpu.memory_space<vmem>>) offsets(%arg23 : memref<128xi32, #tpu.memory_space<vmem>>) semaphore(%arg27 : memref<!tpu.dma_semaphore, #tpu.memory_space<semaphore_mem>>)
        %dma_wait3A = arith.constant 0 : i32
        %dma_wait3A_77 = tpu.memref_slice %arg10[%dma_wait3A] : memref<200000xf32, #tpu.memory_space<hbm>> -> memref<200000xf32, #tpu.memory_space<hbm>>
        tpu.wait_indirect_dma semaphore(%arg27 : memref<!tpu.dma_semaphore, #tpu.memory_space<semaphore_mem>>) src(%dma_wait3A_77 : memref<200000xf32, #tpu.memory_space<hbm>>) dst(%arg25 : memref<128xf32, #tpu.memory_space<vmem>>)
        "tpu.region"() ({
          %run_scoped3A = tpu.sem_alloc : memref<!tpu.dma_semaphore, #tpu.memory_space<semaphore_mem>>
          %dma_start3A_78 = arith.constant 256 : i32
          %dma_start3A_79 = tpu.memref_slice %arg18[%dma_start3A_78] : memref<512xf32, #tpu.memory_space<hbm>> -> memref<128xf32, #tpu.memory_space<hbm>>
          %dma_start3A_80 = arith.constant 256 : i32
          %dma_start3A_81 = tpu.memref_slice %arg18[%dma_start3A_80] : memref<512xf32, #tpu.memory_space<hbm>> -> memref<128xf32, #tpu.memory_space<hbm>>
          tpu.enqueue_dma source(%arg25 : memref<128xf32, #tpu.memory_space<vmem>>) target(%dma_start3A_81 : memref<128xf32, #tpu.memory_space<hbm>>) target_semaphore(%run_scoped3A : memref<!tpu.dma_semaphore, #tpu.memory_space<semaphore_mem>>)
          %dma_wait3A_82 = arith.constant 256 : i32
          %dma_wait3A_83 = tpu.memref_slice %arg18[%dma_wait3A_82] : memref<512xf32, #tpu.memory_space<hbm>> -> memref<128xf32, #tpu.memory_space<hbm>>
          %dma_wait3A_84 = arith.constant 256 : i32
          %dma_wait3A_85 = tpu.memref_slice %arg18[%dma_wait3A_84] : memref<512xf32, #tpu.memory_space<hbm>> -> memref<128xf32, #tpu.memory_space<hbm>>
          tpu.wait_dma2 semaphore(%run_scoped3A : memref<!tpu.dma_semaphore, #tpu.memory_space<semaphore_mem>>) src(%arg25 : memref<128xf32, #tpu.memory_space<vmem>>) dst(%dma_wait3A_85 : memref<128xf32, #tpu.memory_space<hbm>>)
          tpu.yield
        }) : () -> ()
      } else {
      }
      %eq3A_51 = arith.constant 9 : i32
      %eq3A_52 = arith.cmpi eq, %arg1, %eq3A_51 : i32
      %convert_element_type3A_53 = arith.extui %eq3A_52 : i1 to i32
      %cond3A_54 = arith.constant 0 : i32
      %cond3A_55 = arith.cmpi ne, %convert_element_type3A_53, %cond3A_54 : i32
      scf.if %cond3A_55 {
        "tpu.region"() ({
          %run_scoped3A = tpu.sem_alloc : memref<!tpu.dma_semaphore, #tpu.memory_space<semaphore_mem>>
          %dma_start3A_78 = arith.constant 0 : i32
          %dma_start3A_79 = tpu.memref_slice %arg26[%dma_start3A_78] : memref<256xi32, #tpu.memory_space<vmem_shared>> -> memref<128xi32, #tpu.memory_space<vmem_shared>>
          %dma_start3A_80 = arith.constant 0 : i32
          %dma_start3A_81 = tpu.memref_slice %arg26[%dma_start3A_80] : memref<256xi32, #tpu.memory_space<vmem_shared>> -> memref<128xi32, #tpu.memory_space<vmem_shared>>
          tpu.enqueue_dma source(%dma_start3A_81 : memref<128xi32, #tpu.memory_space<vmem_shared>>) target(%arg23 : memref<128xi32, #tpu.memory_space<vmem>>) target_semaphore(%run_scoped3A : memref<!tpu.dma_semaphore, #tpu.memory_space<semaphore_mem>>)
          %dma_wait3A_82 = arith.constant 0 : i32
          %dma_wait3A_83 = tpu.memref_slice %arg26[%dma_wait3A_82] : memref<256xi32, #tpu.memory_space<vmem_shared>> -> memref<128xi32, #tpu.memory_space<vmem_shared>>
          %dma_wait3A_84 = arith.constant 0 : i32
          %dma_wait3A_85 = tpu.memref_slice %arg26[%dma_wait3A_84] : memref<256xi32, #tpu.memory_space<vmem_shared>> -> memref<128xi32, #tpu.memory_space<vmem_shared>>
          tpu.wait_dma2 semaphore(%run_scoped3A : memref<!tpu.dma_semaphore, #tpu.memory_space<semaphore_mem>>) src(%dma_wait3A_85 : memref<128xi32, #tpu.memory_space<vmem_shared>>) dst(%arg23 : memref<128xi32, #tpu.memory_space<vmem>>)
          tpu.yield
        }) : () -> ()
        %dma_start3A = arith.constant 0 : i32
        %dma_start3A_76 = tpu.memref_slice %arg11[%dma_start3A] : memref<200000xf32, #tpu.memory_space<hbm>> -> memref<200000xf32, #tpu.memory_space<hbm>>
        tpu.enqueue_indirect_dma source(%dma_start3A_76 : memref<200000xf32, #tpu.memory_space<hbm>>) target(%arg25 : memref<128xf32, #tpu.memory_space<vmem>>) offsets(%arg23 : memref<128xi32, #tpu.memory_space<vmem>>) semaphore(%arg27 : memref<!tpu.dma_semaphore, #tpu.memory_space<semaphore_mem>>)
        %dma_wait3A = arith.constant 0 : i32
        %dma_wait3A_77 = tpu.memref_slice %arg11[%dma_wait3A] : memref<200000xf32, #tpu.memory_space<hbm>> -> memref<200000xf32, #tpu.memory_space<hbm>>
        tpu.wait_indirect_dma semaphore(%arg27 : memref<!tpu.dma_semaphore, #tpu.memory_space<semaphore_mem>>) src(%dma_wait3A_77 : memref<200000xf32, #tpu.memory_space<hbm>>) dst(%arg25 : memref<128xf32, #tpu.memory_space<vmem>>)
        "tpu.region"() ({
          %run_scoped3A = tpu.sem_alloc : memref<!tpu.dma_semaphore, #tpu.memory_space<semaphore_mem>>
          %dma_start3A_78 = arith.constant 384 : i32
          %dma_start3A_79 = tpu.memref_slice %arg18[%dma_start3A_78] : memref<512xf32, #tpu.memory_space<hbm>> -> memref<128xf32, #tpu.memory_space<hbm>>
          %dma_start3A_80 = arith.constant 384 : i32
          %dma_start3A_81 = tpu.memref_slice %arg18[%dma_start3A_80] : memref<512xf32, #tpu.memory_space<hbm>> -> memref<128xf32, #tpu.memory_space<hbm>>
          tpu.enqueue_dma source(%arg25 : memref<128xf32, #tpu.memory_space<vmem>>) target(%dma_start3A_81 : memref<128xf32, #tpu.memory_space<hbm>>) target_semaphore(%run_scoped3A : memref<!tpu.dma_semaphore, #tpu.memory_space<semaphore_mem>>)
          %dma_wait3A_82 = arith.constant 384 : i32
          %dma_wait3A_83 = tpu.memref_slice %arg18[%dma_wait3A_82] : memref<512xf32, #tpu.memory_space<hbm>> -> memref<128xf32, #tpu.memory_space<hbm>>
          %dma_wait3A_84 = arith.constant 384 : i32
          %dma_wait3A_85 = tpu.memref_slice %arg18[%dma_wait3A_84] : memref<512xf32, #tpu.memory_space<hbm>> -> memref<128xf32, #tpu.memory_space<hbm>>
          tpu.wait_dma2 semaphore(%run_scoped3A : memref<!tpu.dma_semaphore, #tpu.memory_space<semaphore_mem>>) src(%arg25 : memref<128xf32, #tpu.memory_space<vmem>>) dst(%dma_wait3A_85 : memref<128xf32, #tpu.memory_space<hbm>>)
          tpu.yield
        }) : () -> ()
      } else {
      }
      %eq3A_56 = arith.constant 10 : i32
      %eq3A_57 = arith.cmpi eq, %arg1, %eq3A_56 : i32
      %convert_element_type3A_58 = arith.extui %eq3A_57 : i1 to i32
      %cond3A_59 = arith.constant 0 : i32
      %cond3A_60 = arith.cmpi ne, %convert_element_type3A_58, %cond3A_59 : i32
      scf.if %cond3A_60 {
        "tpu.region"() ({
          %run_scoped3A = tpu.sem_alloc : memref<!tpu.dma_semaphore, #tpu.memory_space<semaphore_mem>>
          %dma_start3A_78 = arith.constant 0 : i32
          %dma_start3A_79 = tpu.memref_slice %arg26[%dma_start3A_78] : memref<256xi32, #tpu.memory_space<vmem_shared>> -> memref<128xi32, #tpu.memory_space<vmem_shared>>
          %dma_start3A_80 = arith.constant 0 : i32
          %dma_start3A_81 = tpu.memref_slice %arg26[%dma_start3A_80] : memref<256xi32, #tpu.memory_space<vmem_shared>> -> memref<128xi32, #tpu.memory_space<vmem_shared>>
          tpu.enqueue_dma source(%dma_start3A_81 : memref<128xi32, #tpu.memory_space<vmem_shared>>) target(%arg23 : memref<128xi32, #tpu.memory_space<vmem>>) target_semaphore(%run_scoped3A : memref<!tpu.dma_semaphore, #tpu.memory_space<semaphore_mem>>)
          %dma_wait3A_82 = arith.constant 0 : i32
          %dma_wait3A_83 = tpu.memref_slice %arg26[%dma_wait3A_82] : memref<256xi32, #tpu.memory_space<vmem_shared>> -> memref<128xi32, #tpu.memory_space<vmem_shared>>
          %dma_wait3A_84 = arith.constant 0 : i32
          %dma_wait3A_85 = tpu.memref_slice %arg26[%dma_wait3A_84] : memref<256xi32, #tpu.memory_space<vmem_shared>> -> memref<128xi32, #tpu.memory_space<vmem_shared>>
          tpu.wait_dma2 semaphore(%run_scoped3A : memref<!tpu.dma_semaphore, #tpu.memory_space<semaphore_mem>>) src(%dma_wait3A_85 : memref<128xi32, #tpu.memory_space<vmem_shared>>) dst(%arg23 : memref<128xi32, #tpu.memory_space<vmem>>)
          tpu.yield
        }) : () -> ()
        %dma_start3A = arith.constant 0 : i32
        %dma_start3A_76 = tpu.memref_slice %arg12[%dma_start3A] : memref<200000xf32, #tpu.memory_space<hbm>> -> memref<200000xf32, #tpu.memory_space<hbm>>
        tpu.enqueue_indirect_dma source(%dma_start3A_76 : memref<200000xf32, #tpu.memory_space<hbm>>) target(%arg25 : memref<128xf32, #tpu.memory_space<vmem>>) offsets(%arg23 : memref<128xi32, #tpu.memory_space<vmem>>) semaphore(%arg27 : memref<!tpu.dma_semaphore, #tpu.memory_space<semaphore_mem>>)
        %dma_wait3A = arith.constant 0 : i32
        %dma_wait3A_77 = tpu.memref_slice %arg12[%dma_wait3A] : memref<200000xf32, #tpu.memory_space<hbm>> -> memref<200000xf32, #tpu.memory_space<hbm>>
        tpu.wait_indirect_dma semaphore(%arg27 : memref<!tpu.dma_semaphore, #tpu.memory_space<semaphore_mem>>) src(%dma_wait3A_77 : memref<200000xf32, #tpu.memory_space<hbm>>) dst(%arg25 : memref<128xf32, #tpu.memory_space<vmem>>)
        "tpu.region"() ({
          %run_scoped3A = tpu.sem_alloc : memref<!tpu.dma_semaphore, #tpu.memory_space<semaphore_mem>>
          %dma_start3A_78 = arith.constant 0 : i32
          %dma_start3A_79 = tpu.memref_slice %arg19[%dma_start3A_78] : memref<512xf32, #tpu.memory_space<hbm>> -> memref<128xf32, #tpu.memory_space<hbm>>
          %dma_start3A_80 = arith.constant 0 : i32
          %dma_start3A_81 = tpu.memref_slice %arg19[%dma_start3A_80] : memref<512xf32, #tpu.memory_space<hbm>> -> memref<128xf32, #tpu.memory_space<hbm>>
          tpu.enqueue_dma source(%arg25 : memref<128xf32, #tpu.memory_space<vmem>>) target(%dma_start3A_81 : memref<128xf32, #tpu.memory_space<hbm>>) target_semaphore(%run_scoped3A : memref<!tpu.dma_semaphore, #tpu.memory_space<semaphore_mem>>)
          %dma_wait3A_82 = arith.constant 0 : i32
          %dma_wait3A_83 = tpu.memref_slice %arg19[%dma_wait3A_82] : memref<512xf32, #tpu.memory_space<hbm>> -> memref<128xf32, #tpu.memory_space<hbm>>
          %dma_wait3A_84 = arith.constant 0 : i32
          %dma_wait3A_85 = tpu.memref_slice %arg19[%dma_wait3A_84] : memref<512xf32, #tpu.memory_space<hbm>> -> memref<128xf32, #tpu.memory_space<hbm>>
          tpu.wait_dma2 semaphore(%run_scoped3A : memref<!tpu.dma_semaphore, #tpu.memory_space<semaphore_mem>>) src(%arg25 : memref<128xf32, #tpu.memory_space<vmem>>) dst(%dma_wait3A_85 : memref<128xf32, #tpu.memory_space<hbm>>)
          tpu.yield
        }) : () -> ()
      } else {
      }
      %eq3A_61 = arith.constant 11 : i32
      %eq3A_62 = arith.cmpi eq, %arg1, %eq3A_61 : i32
      %convert_element_type3A_63 = arith.extui %eq3A_62 : i1 to i32
      %cond3A_64 = arith.constant 0 : i32
      %cond3A_65 = arith.cmpi ne, %convert_element_type3A_63, %cond3A_64 : i32
      scf.if %cond3A_65 {
        "tpu.region"() ({
          %run_scoped3A = tpu.sem_alloc : memref<!tpu.dma_semaphore, #tpu.memory_space<semaphore_mem>>
          %dma_start3A_78 = arith.constant 0 : i32
          %dma_start3A_79 = tpu.memref_slice %arg26[%dma_start3A_78] : memref<256xi32, #tpu.memory_space<vmem_shared>> -> memref<128xi32, #tpu.memory_space<vmem_shared>>
          %dma_start3A_80 = arith.constant 0 : i32
          %dma_start3A_81 = tpu.memref_slice %arg26[%dma_start3A_80] : memref<256xi32, #tpu.memory_space<vmem_shared>> -> memref<128xi32, #tpu.memory_space<vmem_shared>>
          tpu.enqueue_dma source(%dma_start3A_81 : memref<128xi32, #tpu.memory_space<vmem_shared>>) target(%arg23 : memref<128xi32, #tpu.memory_space<vmem>>) target_semaphore(%run_scoped3A : memref<!tpu.dma_semaphore, #tpu.memory_space<semaphore_mem>>)
          %dma_wait3A_82 = arith.constant 0 : i32
          %dma_wait3A_83 = tpu.memref_slice %arg26[%dma_wait3A_82] : memref<256xi32, #tpu.memory_space<vmem_shared>> -> memref<128xi32, #tpu.memory_space<vmem_shared>>
          %dma_wait3A_84 = arith.constant 0 : i32
          %dma_wait3A_85 = tpu.memref_slice %arg26[%dma_wait3A_84] : memref<256xi32, #tpu.memory_space<vmem_shared>> -> memref<128xi32, #tpu.memory_space<vmem_shared>>
          tpu.wait_dma2 semaphore(%run_scoped3A : memref<!tpu.dma_semaphore, #tpu.memory_space<semaphore_mem>>) src(%dma_wait3A_85 : memref<128xi32, #tpu.memory_space<vmem_shared>>) dst(%arg23 : memref<128xi32, #tpu.memory_space<vmem>>)
          tpu.yield
        }) : () -> ()
        %dma_start3A = arith.constant 0 : i32
        %dma_start3A_76 = tpu.memref_slice %arg13[%dma_start3A] : memref<200000xf32, #tpu.memory_space<hbm>> -> memref<200000xf32, #tpu.memory_space<hbm>>
        tpu.enqueue_indirect_dma source(%dma_start3A_76 : memref<200000xf32, #tpu.memory_space<hbm>>) target(%arg25 : memref<128xf32, #tpu.memory_space<vmem>>) offsets(%arg23 : memref<128xi32, #tpu.memory_space<vmem>>) semaphore(%arg27 : memref<!tpu.dma_semaphore, #tpu.memory_space<semaphore_mem>>)
        %dma_wait3A = arith.constant 0 : i32
        %dma_wait3A_77 = tpu.memref_slice %arg13[%dma_wait3A] : memref<200000xf32, #tpu.memory_space<hbm>> -> memref<200000xf32, #tpu.memory_space<hbm>>
        tpu.wait_indirect_dma semaphore(%arg27 : memref<!tpu.dma_semaphore, #tpu.memory_space<semaphore_mem>>) src(%dma_wait3A_77 : memref<200000xf32, #tpu.memory_space<hbm>>) dst(%arg25 : memref<128xf32, #tpu.memory_space<vmem>>)
        "tpu.region"() ({
          %run_scoped3A = tpu.sem_alloc : memref<!tpu.dma_semaphore, #tpu.memory_space<semaphore_mem>>
          %dma_start3A_78 = arith.constant 128 : i32
          %dma_start3A_79 = tpu.memref_slice %arg19[%dma_start3A_78] : memref<512xf32, #tpu.memory_space<hbm>> -> memref<128xf32, #tpu.memory_space<hbm>>
          %dma_start3A_80 = arith.constant 128 : i32
          %dma_start3A_81 = tpu.memref_slice %arg19[%dma_start3A_80] : memref<512xf32, #tpu.memory_space<hbm>> -> memref<128xf32, #tpu.memory_space<hbm>>
          tpu.enqueue_dma source(%arg25 : memref<128xf32, #tpu.memory_space<vmem>>) target(%dma_start3A_81 : memref<128xf32, #tpu.memory_space<hbm>>) target_semaphore(%run_scoped3A : memref<!tpu.dma_semaphore, #tpu.memory_space<semaphore_mem>>)
          %dma_wait3A_82 = arith.constant 128 : i32
          %dma_wait3A_83 = tpu.memref_slice %arg19[%dma_wait3A_82] : memref<512xf32, #tpu.memory_space<hbm>> -> memref<128xf32, #tpu.memory_space<hbm>>
          %dma_wait3A_84 = arith.constant 128 : i32
          %dma_wait3A_85 = tpu.memref_slice %arg19[%dma_wait3A_84] : memref<512xf32, #tpu.memory_space<hbm>> -> memref<128xf32, #tpu.memory_space<hbm>>
          tpu.wait_dma2 semaphore(%run_scoped3A : memref<!tpu.dma_semaphore, #tpu.memory_space<semaphore_mem>>) src(%arg25 : memref<128xf32, #tpu.memory_space<vmem>>) dst(%dma_wait3A_85 : memref<128xf32, #tpu.memory_space<hbm>>)
          tpu.yield
        }) : () -> ()
      } else {
      }
      %eq3A_66 = arith.constant 12 : i32
      %eq3A_67 = arith.cmpi eq, %arg1, %eq3A_66 : i32
      %convert_element_type3A_68 = arith.extui %eq3A_67 : i1 to i32
      %cond3A_69 = arith.constant 0 : i32
      %cond3A_70 = arith.cmpi ne, %convert_element_type3A_68, %cond3A_69 : i32
      scf.if %cond3A_70 {
        "tpu.region"() ({
          %run_scoped3A = tpu.sem_alloc : memref<!tpu.dma_semaphore, #tpu.memory_space<semaphore_mem>>
          %dma_start3A_78 = arith.constant 0 : i32
          %dma_start3A_79 = tpu.memref_slice %arg26[%dma_start3A_78] : memref<256xi32, #tpu.memory_space<vmem_shared>> -> memref<128xi32, #tpu.memory_space<vmem_shared>>
          %dma_start3A_80 = arith.constant 0 : i32
          %dma_start3A_81 = tpu.memref_slice %arg26[%dma_start3A_80] : memref<256xi32, #tpu.memory_space<vmem_shared>> -> memref<128xi32, #tpu.memory_space<vmem_shared>>
          tpu.enqueue_dma source(%dma_start3A_81 : memref<128xi32, #tpu.memory_space<vmem_shared>>) target(%arg23 : memref<128xi32, #tpu.memory_space<vmem>>) target_semaphore(%run_scoped3A : memref<!tpu.dma_semaphore, #tpu.memory_space<semaphore_mem>>)
          %dma_wait3A_82 = arith.constant 0 : i32
          %dma_wait3A_83 = tpu.memref_slice %arg26[%dma_wait3A_82] : memref<256xi32, #tpu.memory_space<vmem_shared>> -> memref<128xi32, #tpu.memory_space<vmem_shared>>
          %dma_wait3A_84 = arith.constant 0 : i32
          %dma_wait3A_85 = tpu.memref_slice %arg26[%dma_wait3A_84] : memref<256xi32, #tpu.memory_space<vmem_shared>> -> memref<128xi32, #tpu.memory_space<vmem_shared>>
          tpu.wait_dma2 semaphore(%run_scoped3A : memref<!tpu.dma_semaphore, #tpu.memory_space<semaphore_mem>>) src(%dma_wait3A_85 : memref<128xi32, #tpu.memory_space<vmem_shared>>) dst(%arg23 : memref<128xi32, #tpu.memory_space<vmem>>)
          tpu.yield
        }) : () -> ()
        %dma_start3A = arith.constant 0 : i32
        %dma_start3A_76 = tpu.memref_slice %arg14[%dma_start3A] : memref<200000xf32, #tpu.memory_space<hbm>> -> memref<200000xf32, #tpu.memory_space<hbm>>
        tpu.enqueue_indirect_dma source(%dma_start3A_76 : memref<200000xf32, #tpu.memory_space<hbm>>) target(%arg25 : memref<128xf32, #tpu.memory_space<vmem>>) offsets(%arg23 : memref<128xi32, #tpu.memory_space<vmem>>) semaphore(%arg27 : memref<!tpu.dma_semaphore, #tpu.memory_space<semaphore_mem>>)
        %dma_wait3A = arith.constant 0 : i32
        %dma_wait3A_77 = tpu.memref_slice %arg14[%dma_wait3A] : memref<200000xf32, #tpu.memory_space<hbm>> -> memref<200000xf32, #tpu.memory_space<hbm>>
        tpu.wait_indirect_dma semaphore(%arg27 : memref<!tpu.dma_semaphore, #tpu.memory_space<semaphore_mem>>) src(%dma_wait3A_77 : memref<200000xf32, #tpu.memory_space<hbm>>) dst(%arg25 : memref<128xf32, #tpu.memory_space<vmem>>)
        "tpu.region"() ({
          %run_scoped3A = tpu.sem_alloc : memref<!tpu.dma_semaphore, #tpu.memory_space<semaphore_mem>>
          %dma_start3A_78 = arith.constant 256 : i32
          %dma_start3A_79 = tpu.memref_slice %arg19[%dma_start3A_78] : memref<512xf32, #tpu.memory_space<hbm>> -> memref<128xf32, #tpu.memory_space<hbm>>
          %dma_start3A_80 = arith.constant 256 : i32
          %dma_start3A_81 = tpu.memref_slice %arg19[%dma_start3A_80] : memref<512xf32, #tpu.memory_space<hbm>> -> memref<128xf32, #tpu.memory_space<hbm>>
          tpu.enqueue_dma source(%arg25 : memref<128xf32, #tpu.memory_space<vmem>>) target(%dma_start3A_81 : memref<128xf32, #tpu.memory_space<hbm>>) target_semaphore(%run_scoped3A : memref<!tpu.dma_semaphore, #tpu.memory_space<semaphore_mem>>)
          %dma_wait3A_82 = arith.constant 256 : i32
          %dma_wait3A_83 = tpu.memref_slice %arg19[%dma_wait3A_82] : memref<512xf32, #tpu.memory_space<hbm>> -> memref<128xf32, #tpu.memory_space<hbm>>
          %dma_wait3A_84 = arith.constant 256 : i32
          %dma_wait3A_85 = tpu.memref_slice %arg19[%dma_wait3A_84] : memref<512xf32, #tpu.memory_space<hbm>> -> memref<128xf32, #tpu.memory_space<hbm>>
          tpu.wait_dma2 semaphore(%run_scoped3A : memref<!tpu.dma_semaphore, #tpu.memory_space<semaphore_mem>>) src(%arg25 : memref<128xf32, #tpu.memory_space<vmem>>) dst(%dma_wait3A_85 : memref<128xf32, #tpu.memory_space<hbm>>)
          tpu.yield
        }) : () -> ()
      } else {
      }
      %eq3A_71 = arith.constant 13 : i32
      %eq3A_72 = arith.cmpi eq, %arg1, %eq3A_71 : i32
      %convert_element_type3A_73 = arith.extui %eq3A_72 : i1 to i32
      %cond3A_74 = arith.constant 0 : i32
      %cond3A_75 = arith.cmpi ne, %convert_element_type3A_73, %cond3A_74 : i32
      scf.if %cond3A_75 {
        "tpu.region"() ({
          %run_scoped3A = tpu.sem_alloc : memref<!tpu.dma_semaphore, #tpu.memory_space<semaphore_mem>>
          %dma_start3A_78 = arith.constant 0 : i32
          %dma_start3A_79 = tpu.memref_slice %arg26[%dma_start3A_78] : memref<256xi32, #tpu.memory_space<vmem_shared>> -> memref<128xi32, #tpu.memory_space<vmem_shared>>
          %dma_start3A_80 = arith.constant 0 : i32
          %dma_start3A_81 = tpu.memref_slice %arg26[%dma_start3A_80] : memref<256xi32, #tpu.memory_space<vmem_shared>> -> memref<128xi32, #tpu.memory_space<vmem_shared>>
          tpu.enqueue_dma source(%dma_start3A_81 : memref<128xi32, #tpu.memory_space<vmem_shared>>) target(%arg23 : memref<128xi32, #tpu.memory_space<vmem>>) target_semaphore(%run_scoped3A : memref<!tpu.dma_semaphore, #tpu.memory_space<semaphore_mem>>)
          %dma_wait3A_82 = arith.constant 0 : i32
          %dma_wait3A_83 = tpu.memref_slice %arg26[%dma_wait3A_82] : memref<256xi32, #tpu.memory_space<vmem_shared>> -> memref<128xi32, #tpu.memory_space<vmem_shared>>
          %dma_wait3A_84 = arith.constant 0 : i32
          %dma_wait3A_85 = tpu.memref_slice %arg26[%dma_wait3A_84] : memref<256xi32, #tpu.memory_space<vmem_shared>> -> memref<128xi32, #tpu.memory_space<vmem_shared>>
          tpu.wait_dma2 semaphore(%run_scoped3A : memref<!tpu.dma_semaphore, #tpu.memory_space<semaphore_mem>>) src(%dma_wait3A_85 : memref<128xi32, #tpu.memory_space<vmem_shared>>) dst(%arg23 : memref<128xi32, #tpu.memory_space<vmem>>)
          tpu.yield
        }) : () -> ()
        %dma_start3A = arith.constant 0 : i32
        %dma_start3A_76 = tpu.memref_slice %arg15[%dma_start3A] : memref<200000xf32, #tpu.memory_space<hbm>> -> memref<200000xf32, #tpu.memory_space<hbm>>
        tpu.enqueue_indirect_dma source(%dma_start3A_76 : memref<200000xf32, #tpu.memory_space<hbm>>) target(%arg25 : memref<128xf32, #tpu.memory_space<vmem>>) offsets(%arg23 : memref<128xi32, #tpu.memory_space<vmem>>) semaphore(%arg27 : memref<!tpu.dma_semaphore, #tpu.memory_space<semaphore_mem>>)
        %dma_wait3A = arith.constant 0 : i32
        %dma_wait3A_77 = tpu.memref_slice %arg15[%dma_wait3A] : memref<200000xf32, #tpu.memory_space<hbm>> -> memref<200000xf32, #tpu.memory_space<hbm>>
        tpu.wait_indirect_dma semaphore(%arg27 : memref<!tpu.dma_semaphore, #tpu.memory_space<semaphore_mem>>) src(%dma_wait3A_77 : memref<200000xf32, #tpu.memory_space<hbm>>) dst(%arg25 : memref<128xf32, #tpu.memory_space<vmem>>)
        "tpu.region"() ({
          %run_scoped3A = tpu.sem_alloc : memref<!tpu.dma_semaphore, #tpu.memory_space<semaphore_mem>>
          %dma_start3A_78 = arith.constant 384 : i32
          %dma_start3A_79 = tpu.memref_slice %arg19[%dma_start3A_78] : memref<512xf32, #tpu.memory_space<hbm>> -> memref<128xf32, #tpu.memory_space<hbm>>
          %dma_start3A_80 = arith.constant 384 : i32
          %dma_start3A_81 = tpu.memref_slice %arg19[%dma_start3A_80] : memref<512xf32, #tpu.memory_space<hbm>> -> memref<128xf32, #tpu.memory_space<hbm>>
          tpu.enqueue_dma source(%arg25 : memref<128xf32, #tpu.memory_space<vmem>>) target(%dma_start3A_81 : memref<128xf32, #tpu.memory_space<hbm>>) target_semaphore(%run_scoped3A : memref<!tpu.dma_semaphore, #tpu.memory_space<semaphore_mem>>)
          %dma_wait3A_82 = arith.constant 384 : i32
          %dma_wait3A_83 = tpu.memref_slice %arg19[%dma_wait3A_82] : memref<512xf32, #tpu.memory_space<hbm>> -> memref<128xf32, #tpu.memory_space<hbm>>
          %dma_wait3A_84 = arith.constant 384 : i32
          %dma_wait3A_85 = tpu.memref_slice %arg19[%dma_wait3A_84] : memref<512xf32, #tpu.memory_space<hbm>> -> memref<128xf32, #tpu.memory_space<hbm>>
          tpu.wait_dma2 semaphore(%run_scoped3A : memref<!tpu.dma_semaphore, #tpu.memory_space<semaphore_mem>>) src(%arg25 : memref<128xf32, #tpu.memory_space<vmem>>) dst(%dma_wait3A_85 : memref<128xf32, #tpu.memory_space<hbm>>)
          tpu.yield
        }) : () -> ()
      } else {
      }
    } else {
    }
    return
  }
}

module attributes {stable_mosaic.version = 14 : i64} {
  func.func @_loss_body(%arg0: memref<2x256xf32, #tpu.memory_space<vmem>>, %arg1: memref<1x256xi32, #tpu.memory_space<vmem>>, %arg2: memref<4x128xf32, #tpu.memory_space<vmem>>, %arg3: memref<4x128xf32, #tpu.memory_space<vmem>>, %arg4: memref<1x1xf32, #tpu.memory_space<vmem>>, %arg5: memref<1x1xf32, #tpu.memory_space<vmem>>) attributes {dimension_semantics = [], scalar_prefetch = 0 : i64, scratch_operands = 0 : i64, tpu.core_type = #tpu.core_type<tc>} {
    %get3A = arith.constant 0 : index
    %get3A_0 = arith.constant 0 : index
    %get3A_1 = vector.load %arg0[%get3A, %get3A_0] : memref<2x256xf32, #tpu.memory_space<vmem>>, vector<1x256xf32>
    %get3A_2 = arith.constant 1 : index
    %get3A_3 = arith.constant 0 : index
    %get3A_4 = vector.load %arg0[%get3A_2, %get3A_3] : memref<2x256xf32, #tpu.memory_space<vmem>>, vector<1x256xf32>
    %get3A_5 = arith.constant 0 : index
    %get3A_6 = arith.constant 0 : index
    %get3A_7 = vector.load %arg1[%get3A_5, %get3A_6] : memref<1x256xi32, #tpu.memory_space<vmem>>, vector<1x256xi32>
    %max3A = arith.maximumf %get3A_1, %get3A_4 : vector<1x256xf32>
    %sub3A = arith.subf %get3A_1, %max3A : vector<1x256xf32>
    %exp3A = math.exp %sub3A : vector<1x256xf32>
    %sub3A_8 = arith.subf %get3A_4, %max3A : vector<1x256xf32>
    %exp3A_9 = math.exp %sub3A_8 : vector<1x256xf32>
    %add3A = arith.addf %exp3A, %exp3A_9 : vector<1x256xf32>
    %log3A = math.log %add3A : vector<1x256xf32>
    %add3A_10 = arith.addf %max3A, %log3A : vector<1x256xf32>
    %eq3A = arith.constant 1 : i32
    %eq3A_11 = vector.broadcast %eq3A : i32 to vector<1x256xi32>
    %eq3A_12 = arith.cmpi eq, %get3A_7, %eq3A_11 : vector<1x256xi32>
    %select_n3A = arith.select %eq3A_12, %get3A_4, %get3A_1 : vector<1x256xi1>, vector<1x256xf32>
    %sub3A_13 = arith.subf %add3A_10, %select_n3A : vector<1x256xf32>
    %reduce_sum3A = vector.shape_cast %sub3A_13 : vector<1x256xf32> to vector<1x1x256xf32>
    %reduce_sum3A_14 = arith.constant dense<0.000000e+00> : vector<1xf32>
    %reduce_sum3A_15 = vector.multi_reduction <add>, %reduce_sum3A, %reduce_sum3A_14 [1, 2] : vector<1x1x256xf32> to vector<1xf32>
    %reduce_sum3A_16 = vector.shape_cast %reduce_sum3A_15 : vector<1xf32> to vector<1x1x1xf32>
    %reduce_sum3A_17 = vector.extract %reduce_sum3A_16[0, 0, 0] : f32 from vector<1x1x1xf32>
    %broadcast_in_dim3A = vector.broadcast %reduce_sum3A_17 : f32 to vector<1x1xf32>
    %swap3A = arith.constant 0 : index
    %swap3A_18 = arith.constant 0 : index
    %swap3A_19 = vector.load %arg4[%swap3A, %swap3A_18] : memref<1x1xf32, #tpu.memory_space<vmem>>, vector<1x1xf32>
    tpu.vector_store %arg4[%swap3A, %swap3A_18], %broadcast_in_dim3A {strides = array<i32>} : memref<1x1xf32, #tpu.memory_space<vmem>>, vector<1x1xf32>,
    %get3A_20 = arith.constant 0 : index
    %get3A_21 = arith.constant 0 : index
    %get3A_22 = vector.load %arg2[%get3A_20, %get3A_21] : memref<4x128xf32, #tpu.memory_space<vmem>>, vector<4x128xf32>
    %get3A_23 = arith.constant 0 : index
    %get3A_24 = arith.constant 0 : index
    %get3A_25 = vector.load %arg3[%get3A_23, %get3A_24] : memref<4x128xf32, #tpu.memory_space<vmem>>, vector<4x128xf32>
    %sub3A_26 = arith.subf %get3A_22, %get3A_25 : vector<4x128xf32>
    %abs3A = math.absf %sub3A_26 : vector<4x128xf32>
    %lt3A = arith.constant 1.000000e+00 : f32
    %lt3A_27 = vector.broadcast %lt3A : f32 to vector<4x128xf32>
    %lt3A_28 = arith.cmpf olt, %abs3A, %lt3A_27 : vector<4x128xf32>
    %mul3A = arith.constant 5.000000e-01 : f32
    %mul3A_29 = vector.broadcast %mul3A : f32 to vector<4x128xf32>
    %mul3A_30 = arith.mulf %mul3A_29, %sub3A_26 : vector<4x128xf32>
    %mul3A_31 = arith.mulf %mul3A_30, %sub3A_26 : vector<4x128xf32>
    %sub3A_32 = arith.constant 5.000000e-01 : f32
    %sub3A_33 = vector.broadcast %sub3A_32 : f32 to vector<4x128xf32>
    %sub3A_34 = arith.subf %abs3A, %sub3A_33 : vector<4x128xf32>
    %select_n3A_35 = arith.select %lt3A_28, %mul3A_31, %sub3A_34 : vector<4x128xi1>, vector<4x128xf32>
    %reduce_sum3A_36 = vector.shape_cast %select_n3A_35 : vector<4x128xf32> to vector<1x4x128xf32>
    %reduce_sum3A_37 = arith.constant dense<0.000000e+00> : vector<1xf32>
    %reduce_sum3A_38 = vector.multi_reduction <add>, %reduce_sum3A_36, %reduce_sum3A_37 [1, 2] : vector<1x4x128xf32> to vector<1xf32>
    %reduce_sum3A_39 = vector.shape_cast %reduce_sum3A_38 : vector<1xf32> to vector<1x1x1xf32>
    %reduce_sum3A_40 = vector.extract %reduce_sum3A_39[0, 0, 0] : f32 from vector<1x1x1xf32>
    %broadcast_in_dim3A_41 = vector.broadcast %reduce_sum3A_40 : f32 to vector<1x1xf32>
    %swap3A_42 = arith.constant 0 : index
    %swap3A_43 = arith.constant 0 : index
    %swap3A_44 = vector.load %arg5[%swap3A_42, %swap3A_43] : memref<1x1xf32, #tpu.memory_space<vmem>>, vector<1x1xf32>
    tpu.vector_store %arg5[%swap3A_42, %swap3A_43], %broadcast_in_dim3A_41 {strides = array<i32>} : memref<1x1xf32, #tpu.memory_space<vmem>>, vector<1x1xf32>,
    return
  }
}

</mosaic_0001>

<sc_bundles>
// kernel: kernel.5.cloned.1.call-start
scs
__scs_entry_jumppad:
0x0: {  	(pc) =	sbr.rel $0x88, $3  }
0x1: {  	(tag) =	ssettag $0x0;
	lr =	simm.s32 $0x1  }
0x2: {  	[smem:$0x3F9D] =	sst lr;
	_ =	strace $0xD0000000  }
0x3: {  	_ = 	snop  }
0x4: {  	_ = 	snop  }
0x5: {  	_ = 	snop  }
0x6: {  	_ = 	snop  }
0x7: {  	_ = 	snop  }
__scs_overlays_trampoline_lowered:
0x8: {  	[smem:$0x3FAC] =	sst s0  }
0x9: {  	[smem:$0x3FAD] =	sst s1  }
0xa: {  	[smem:$0x3FAE] =	sst s2  }
0xb: {  	[smem:$0x3FAF] =	sst s3  }
0xc: {  	[smem:$0x3FB0] =	sst s4  }
0xd: {  	[smem:$0x3FB1] =	sst s5  }
0xe: {  	[smem:$0x3FB2] =	sst s6  }
0xf: {  	[smem:$0x3FB3] =	sst s7  }
0x10: {  	[smem:$0x3FB4] =	sst s8  }
0x11: {  	[smem:$0x3FB5] =	sst s9;
	s0 =	simm.s32 @!p0 $0x0  }
0x12: {  	s1 =	sld [smem:$0x3F9B];
	s0 =	simm.s32 @p0 $0x1  }
0x13: {  	[smem:$0x3FB6] =	sst s0;
	s0 =	simm.s32 @!p1 $0x0  }
0x14: {  	s2 =	sld [smem:$0x3F9A];
	s0 =	simm.s32 @p1 $0x1  }
0x15: {  	[smem:$0x3FB7] =	sst s0;
	s0 =	simm.s32 @!p2 $0x0  }
0x16: {  	s3 =	sld [smem:$0x3FDB];
	s0 =	simm.s32 @p2 $0x1  }
0x17: {  	s4 =	simm.s32 $0x1BF5;
	[smem:$0x3FB9] =	sst s0  }
0x18: {  	s0 =	sld [smem:$0x3F9C];
	_ =	swait.ge [sflag:s4], $0x0  }
0x19: {  	s7 =	sld [smem:$0x3F9D]  }
0x1a: {  	s8 =	sadd.s32 $0xFFFFE003, lr  }
0x1b: {  	s9 =	sadd.s32 $0xFFFFFEF7, lr;
	s5 =	simm.s32 $0xFFFFFFFF;
	p2 =	slt.u32 s8, $0xFFFFF086  }
0x1c: {  	p1 =	slt.u32 s9, $0xF7A;
	s5 =	simm.s32 @!p2 $0x0  }
0x1d: {  	s5 =	simm.s32 @p1 $0x1;
	p0 =	seq.s32 s7, s2  }
0x1e: {  	s7 =	smul.u32 @!p0 $0xF7A, s2;
	p2 =	seq.s32 @!p0 s5, $0x0  }
0x1f: {  	s9 =	smul.u32 $0xF7A, s1;
	s8 =	simm.s32 @!p0 $0x1BF5;
	p2 =	por !p2, p0  }
0x20: {  	[sflag:s8] =	ssyncset.s32 @!p0 $0xFFFFF086;
	s6 =	sadd.s32 @!p0 s3, s7;
	s7 =	simm.s32 @!p0 $0x108  }
0x21: {  	s3 =	sadd.s32 s3, s9;
	s6 =	sadd.s32 @!p0 $0x88, s6;
	s7 =	simm.s32 @p2 $0x1082  }
0x22: {  	[simem:s7], [sflag:s8] =	dma.local @!p0 [hbm:s6], $0xF7A  }
0x23: {  	s9 =	sor.u32 $0xD0000000, s2;
	s6 =	simm.s32 $0x108;
	_ =	swait.ge @!p0 [sflag:s8], $0x0  }
0x24: {  	s3 =	sadd.s32 $0x88, s3;
	s6 =	simm.s32 @!p1 $0x1082;
	[sflag:s4] =	ssyncset.s32 $0xFFFFF086  }
0x25: {  	[simem:s6], [sflag:s4] =	dma.local [hbm:s3], $0xF7A  }
0x26: {  	[smem:$0x3F9D] =	sst s1;
	(tag) =	ssettag s2;
	_ =	strace s9  }
0x27: {  	s1 =	sld [smem:$0x3FAD]  }
0x28: {  	s2 =	sld [smem:$0x3FAE]  }
0x29: {  	s4 =	sld [smem:$0x3FB0]  }
0x2a: {  	p0 =	seq.s32 s5, $0x0;
	s5 =	sld [smem:$0x3FB1]  }
0x2b: {  	s6 =	sld [smem:$0x3FB2]  }
0x2c: {  	s7 =	sld [smem:$0x3FB3]  }
0x2d: {  	s3 =	simm.s32 $0x108;
	s8 =	sld [smem:$0x3FB4]  }
0x2e: {  	s3 =	simm.s32 @!p0 $0x1082;
	s9 =	sld [smem:$0x3FB5]  }
0x2f: {  	lr =	sadd.s32 s0, s3;
	s0 =	sld [smem:$0x3FAC]  }
0x30: {  	s3 =	sld [smem:$0x3FAF]  }
0x31: {  	[smem:$0x3FB8] =	sst s10  }
0x32: {  	s10 =	sld [smem:$0x3FB6];
	_ =	sdelay $0x3  }
0x33: {  	p0 =	seq.s32 s10, $0x1;
	s10 =	sld [smem:$0x3FB8];
	_ =	sdelay $0x3  }
0x34: {  	[smem:$0x3FB8] =	sst s10  }
0x35: {  	s10 =	sld [smem:$0x3FB7];
	_ =	sdelay $0x3  }
0x36: {  	p1 =	seq.s32 s10, $0x1;
	s10 =	sld [smem:$0x3FB8];
	_ =	sdelay $0x3  }
0x37: {  	[smem:$0x3FB8] =	sst s10  }
0x38: {  	s10 =	sld [smem:$0x3FB9]  }
0x39: {  	_ = 	snop;
	(pc) =	sbr.ind lr, $3  }
0x3a: {  	_ = 	snop  }
0x3b: {  	_ = 	snop  }
0x3c: {  	p2 =	seq.s32 s10, $0x1;
	s10 =	sld [smem:$0x3FB8]  }
0x3d: {  	_ =	shalt  }
0x3e: {  	_ =	shalt  }
0x3f: {  	_ =	shalt  }
0x40: {  	_ =	shalt  }
0x41: {  	_ =	shalt  }
0x42: {  	_ =	shalt  }
0x43: {  	_ =	shalt  }
0x44: {  	_ =	shalt  }
0x45: {  	_ =	shalt  }
0x46: {  	_ =	shalt  }
0x47: {  	_ =	shalt  }
0x48: {  	_ =	shalt  }
0x49: {  	_ =	shalt  }
0x4a: {  	_ =	shalt  }
0x4b: {  	_ =	shalt  }
0x4c: {  	_ =	shalt  }
0x4d: {  	_ =	shalt  }
0x4e: {  	_ =	shalt  }
0x4f: {  	_ =	shalt  }
0x50: {  	_ =	shalt  }
0x51: {  	_ =	shalt  }
0x52: {  	_ =	shalt  }
0x53: {  	_ =	shalt  }
0x54: {  	_ =	shalt  }
0x55: {  	_ =	shalt  }
0x56: {  	_ =	shalt  }
0x57: {  	_ =	shalt  }
0x58: {  	_ =	shalt  }
0x59: {  	_ =	shalt  }
0x5a: {  	_ =	shalt  }
0x5b: {  	_ =	shalt  }
0x5c: {  	_ =	shalt  }
0x5d: {  	_ =	shalt  }
0x5e: {  	_ =	shalt  }
0x5f: {  	_ =	shalt  }
0x60: {  	_ =	shalt  }
0x61: {  	_ =	shalt  }
0x62: {  	_ =	shalt  }
0x63: {  	_ =	shalt  }
0x64: {  	_ =	shalt  }
0x65: {  	_ =	shalt  }
0x66: {  	_ =	shalt  }
0x67: {  	_ =	shalt  }
0x68: {  	_ =	shalt  }
0x69: {  	_ =	shalt  }
0x6a: {  	_ =	shalt  }
0x6b: {  	_ =	shalt  }
0x6c: {  	_ =	shalt  }
0x6d: {  	_ =	shalt  }
0x6e: {  	_ =	shalt  }
0x6f: {  	_ =	shalt  }
0x70: {  	_ =	shalt  }
0x71: {  	_ =	shalt  }
0x72: {  	_ =	shalt  }
0x73: {  	_ =	shalt  }
0x74: {  	_ =	shalt  }
0x75: {  	_ =	shalt  }
0x76: {  	_ =	shalt  }
0x77: {  	_ =	shalt  }
0x78: {  	_ =	shalt  }
0x79: {  	_ =	shalt  }
0x7a: {  	_ =	shalt  }
0x7b: {  	_ =	shalt  }
0x7c: {  	_ =	shalt  }
0x7d: {  	_ =	shalt  }
0x7e: {  	_ =	shalt  }
0x7f: {  	_ =	shalt  }
0x80: {  	_ =	shalt  }
0x81: {  	_ =	shalt  }
0x82: {  	_ =	shalt  }
0x83: {  	_ =	shalt  }
0x84: {  	_ =	shalt  }
0x85: {  	_ =	shalt  }
0x86: {  	_ =	shalt  }
0x87: {  	_ =	shalt  }
.Lfunc_end0:
.L_simem_size_0:
called_computation_lowered:
.L_overlay_start_0:
0x88: {  	s2 =	sld [smem:$0x3FD9]  }
0x89: {  	s3 =	sld [smem:$0x3FFE];
	_ =	sdelay $0x1  }
0x8a: {  	s1 =	srdreg.scid  }
0x8b: {  	s0 =	sand.u32 $0x1, s1  }
0x8c: {  	s17 =	sshll.u32 s0, $0xA;
	s2 =	sadd.s32 s3, s2  }
0x8d: {  	s2 =	sadd.s32 s2, s17  }
0x8e: {  	[smem:$0x3FC4] =	sst s2  }
0x8f: {  	_ = 	snop  }
0x90: {  	s2 =	sld [smem:$0x3FC6];
	(tm) =	ssettm $0x1  }
0x91: {  	s18 =	sld [smem:$0x3FFB];
	_ =	sdelay $0x3  }
0x92: {  	_ =	strace s18  }
0x93: {  	s3 =	sld [smem:$0x3FFC];
	_ =	sdelay $0x3  }
0x94: {  	_ =	strace s3  }
0x95: {  	s3 =	sld [smem:$0x3FFD];
	_ =	sdelay $0x3  }
0x96: {  	_ =	strace s3  }
0x97: {  	_ =	strace $0x8FFFFFFF  }
0x98: {  	s19 =	sld [smem:$0x3FDB];
	_ =	sdelay $0x1  }
0x99: {  	s4 =	simm.s32 $_scs_section_size  }
0x9a: {  	s5 =	simm.s32 $_size__tile_overlayer_lowered;
	s6 =	simm.s32 $_tile_overlayer_lowered  }
0x9b: {  	s22 =	simm.s32 $0x1BFF;
	s21 =	sshll.u32 s6, $0x1;
	s3 =	sadd.s32 s4, s19  }
0x9c: {  	s7 =	simm.s32 $0x0;
	s20 =	sshll.u32 s5, $0x1;
	s5 =	sadd.s32 s21, s3  }
0x9d: {  	[timem:s7], [sflag:s22] =	dma.local [hbm:s5], s20  }
0x9e: {  	_ =	swait.ge [sflag:s22], s20  }
0x9f: {  	s4 =	ssub.s32 $0x0, s20;
	[sflag:s22] =	ssyncset.done $0x0  }
0xa0: {  	[sflag:s22] =	ssyncadd.s32 s4;
	_ =	sdelay $0x1  }
0xa1: {  	s23 =	simm.s32 $0x1B8B  }
0xa2: {  	_ =	swait.ge [sflag:s23], $0x1  }
0xa3: {  	[sflag:s23] =	ssyncset.done $0x0  }
0xa4: {  	s25 =	simm.s32 $0x1B8E;
	s24 =	sld [smem:$0x3FFE];
	[sflag:s23] =	ssyncadd.s32 $0xFFFFFFFF  }
0xa5: {  	s26 =	simm.s32 $execute0_lowered;
	[smem:$0x3FD2] =	sst s25  }
0xa6: {  	s5 =	sshll.u32 s26, $0x1;
	_ =	strace $0x80000046;
	[dreg:$0x1] =	wrdreg $0xFFFFFFFF  }
0xa7: {  	s28 =	simm.s32 $_size_execute0_lowered;
	s3 =	sadd.s32 s3, s5;
	[dreg:$0x0] =	wrdreg $0x0  }
0xa8: {  	s5 =	sshll.u32 s28, $0x1;
	[dreg:$0x2] =	wrdreg s3  }
0xa9: {  	[dreg:$0x3] =	wrdreg s5  }
0xaa: {  	[dreg:$0x4] =	wrdreg $0xC0  }
0xab: {  	_ =	task [dreg:s7], $0x5FFFF  }
0xac: {  	[dreg:$0x1] =	wrdreg $0xFFFFFFFF  }
0xad: {  	[dreg:$0x0] =	wrdreg $0x60  }
0xae: {  	[dreg:$0x2] =	wrdreg s2  }
0xaf: {  	[dreg:$0x3] =	wrdreg s24  }
0xb0: {  	[dreg:$0x4] =	wrdreg $0x9  }
0xb1: {  	_ =	task.clear_ibuf [dreg:s7], $0x5FFFF;
	_ =	strace $0x90000046  }
0xb2: {  	s29 =	simm.s32 $0x9;
	_ =	strace $0x80000048  }
0xb3: {  	_ =	swait.ge [sflag:s29], $0x1  }
0xb4: {  	[sflag:s29] =	ssyncadd.s32 $0xFFFFFFFF  }
0xb5: {  	_ =	strace $0x90000048  }
0xb6: {  	_ =	sfence  }
0xb7: {  	s30 =	sld [smem:$0x0];
	_ =	sdelay $0x2  }
0xb8: {  	s31 =	sshll.u32 s1, $0xD;
	s1 =	sshrl.u32 s1, $0x2  }
0xb9: {  	s3 =	sand.u32 $0x4000, s31;
	s1 =	sadd.s32 s1, s30  }
0xba: {  	s0 =	sor.u32 s3, s0;
	s1 =	sshll.u32 s1, $0x11  }
0xbb: {  	s0 =	sor.u32 s1, s0  }
0xbc: {  	s0 =	sadd.s32 $0x8F2B, s0  }
0xbd: {  	[sflag:s0] =	ssyncadd.remote.s32 $0x1  }
0xbe: {  	_ =	sfence.sel $0xFFFF  }
0xbf: {  	[dreg:$0x0] =	wrdreg $0xFFFFFFFF;
	(pc) =	sbr.abs _section_cstart, $3  }
0xc0: {  	[dreg:$0x1] =	wrdreg $0xFFFFFFFF  }
0xc1: {  	_ =	task.clear_ibuf [dreg:s7], $0x2FFFF;
	_ =	strace $0x9FFFFFFF  }
0xc2: {  	(tm) =	ssettm $0x7FFFFFFF  }
0xc3: {  	_ =	shalt  }
tec
execute0_lowered:
.L_overlay_start_1:
0x0: {  	(tag) =	ssettag $0x1  }
0x1: {  	s1 =	srdreg.scid  }
0x2: {  	s0 =	stileid.u32;
	s4 =	rddreg [dreg:$0x0]  }
0x3: {  	s6 =	rddreg [dreg:$0x1];
	s2 =	simm.s32 $0x0;
	s13 =	simm.s32 $0x1  }
0x4: {  	s14 =	simm.s32 $0x0;
	s5 =	sand.u32 $0x1, s1;
	s1 =	rddreg [dreg:$0x2]  }
0x5: {  	s30 =	sshll.u32 s0, $0x1;
	[smem:$0x7FF] =	sst s2;
	s11 =	smul.u32 $0x30E0, s0  }
0x6: {  	s10 =	sor.u32 s5, s30;
	s7 =	ssub.s32 $0x2, s5;
	s12 =	smul.u32 $0x1870, s5  }
0x7: {  	_ =	strace $0x80000047;
	s3 =	smul.u32 $0x1870, s10;
	s8 =	sshrl.u32 s7, $0x1  }
0x8: {  	s31 =	sshll.u32 s10, $0x4;
	p0 =	seq.s32 s10, $0x1F;
	s10 =	simm.s32 $0x1880  }
0x9: {  	s8 =	ssub.s32 s7, s8;
	s5 =	sadd.s32 s6, s31;
	s3 =	sshrl.u32 s3, $0x3  }
0xa: {  	s8 =	smax.u32 s8, $0x1;
	s9 =	sadd.s32 s3, s6;
	s3 =	sadd.s32 s4, s3  }
0xb: {  	s4 =	sadd.s32 $0x5EB2, s4;
	s6 =	sadd.s32 $0x200, s9;
	s7 =	sadd.s32 $0x63C0, s9  }
0xc: {  	v0 =	vlaneseq.u32;
	v1 =	vimm.s32 $0x0;
	vm0 =	vmmov $0xff;
	s9 =	sadd.s32 s12, s11;
	s11 =	simm.s32 $0x3100;
	s12 =	simm.s32 $0x4980  }
.LBB2_1:
0xd: {  	s15 =	simm.s32 @p0 $0x0  }
0xe: {  	[tilespmem:s15], [sflag:$0x1] =	stream.linear.gather @p0 [hbm4b:s4+s15], $0x17B0, $0x38;
	[tilespmem:$0x4A00] =	vst v63  }
0xf: {  	s15 =	simm.s32 @p0 $0x1  }
0x10: {  	_ =	swait.ge @p0 [sflag:s15], $0x17B0  }
0x11: {  	[sflag:s15] =	ssyncset.done @p0 $0x0  }
0x12: {  	[sflag:s15] =	ssyncadd.s32 @p0 $0xFFFFE850;
	s15 =	simm.s32 @!p0 $0x0  }
0x13: {  	[tilespmem:s15], [sflag:$0x1] =	stream.linear.gather @!p0 [hbm4b:s3+s15], $0x1870, $0x38;
	[tilespmem:$0x4A00] =	vst v63  }
0x14: {  	s15 =	simm.s32 @!p0 $0x1  }
0x15: {  	_ =	swait.ge @!p0 [sflag:s15], $0x1870  }
0x16: {  	[sflag:s15] =	ssyncset.done @!p0 $0x0  }
0x17: {  	[sflag:s15] =	ssyncadd.s32 @!p0 $0xFFFFE790  }
0x18: {  	v2 =	vld [tilespmem:s2+$0x0];
	_ =	sdelay $0x4  }
0x19: {  	vm1 =	veq.s32 v2, $0x1  }
0x1a: {  	v3 =	vsel vm1, $0x1, v1  }
0x1b: {  	(xrf0) =	vadd.scan.msk.s32 $0xffff, v3;
	_ =	sdelay $0x2  }
0x1c: {  	v3 =	vmov s2  }
0x1d: {  	v3 =	vadd.s32 $0xFFFFFFFF, v3  }
0x1e: {  	s15 =	simm.s32 @!p0 $0x187;
	v3 =	vbroadcast v3, $0x0  }
0x1f: {  	s31 =	simm.s32 $0x0;
	s15 =	simm.s32 @p0 $0x17B;
	vm2 =	veq.s32 v2, $0x0;
	v4, _, _ =	vpop (xrf0)  }
0x20: {  	s15 =	sshll.u32 s15, $0x4;
	v2 =	vadd.s32 v4, v3;
	v3 =	vsub.s32 s31, v4;
	(v2sf) =	vpush v4, $0xF  }
0x21: {  	p1 =	sne.s32 s15, $0x10;
	v3 =	vadd.s32 v0, v3  }
.Ltmp0:
0x22: {  	_ = 	snop;
	(pc) =	sbr.rel @!p1 .LBB2_3-.Ltmp0, $4  }
0x23: {  	s16 =	sadd.s32 $0x0, s9  }
0x24: {  	v5 =	vor.u32 s16, v0  }
0x25: {  	[tilespmem:v2+s10+$0x0] =	vst.idx.msk vm1, v5  }
0x26: {  	s18 =	simm.s32 $0x10;
	s17 =	simm.s32 $0x0;
	s16 =	simm.s32 $0x10;
	[tilespmem:v3+s11+$0x0] =	vst.idx.msk vm2, v5  }
.LBB2_2:
0x27: {  	v2 =	vld [tilespmem:s16+$0x0];
	s19 =	smov.u32 s18;
	s18 =	sadd.s32 $0x10, s18  }
0x28: {  	p1 =	sne.s32 s15, s18;
	_ =	sdelay $0x3  }
0x29: {  	vm1 =	veq.s32 v2, $0x1;
	vm2 =	veq.s32 v2, $0x0  }
0x2a: {  	v2 =	vsel vm1, $0x1, v1  }
0x2b: {  	(xrf0) =	vadd.scan.msk.s32 $0xffff, v2  }
0x2c: {  	s20 =	spop (v2sf)  }
0x2d: {  	s17 =	sadd.s32 s17, s20  }
0x2e: {  	s20 =	ssub.s32 s19, s17;
	v2 =	vmov s17  }
0x2f: {  	v2 =	vadd.s32 $0xFFFFFFFF, v2  }
0x30: {  	v2 =	vbroadcast v2, $0x0  }
0x31: {  	v3, _, _ =	vpop (xrf0)  }
0x32: {  	v2 =	vadd.s32 v3, v2;
	v4 =	vsub.s32 s20, v3;
	(v2sf) =	vpush v3, $0xF  }
0x33: {  	v3 =	vadd.s32 v0, v4  }
.Ltmp1:
0x34: {  	(pc) =	sbr.rel @p1 .LBB2_2-.Ltmp1, $4  }
0x35: {  	s19 =	sadd.s32 s19, s9  }
0x36: {  	v4 =	vor.u32 s19, v0  }
0x37: {  	[tilespmem:v2+s10+$0x0] =	vst.idx.msk vm1, v4  }
0x38: {  	s16 =	sadd.s32 $0x10, s16;
	[tilespmem:v3+s11+$0x0] =	vst.idx.msk vm2, v4  }
.LBB2_3:
0x39: {  	_ =	sdelay $0x7  }
0x3a: {  	s16 =	spop (v2sf)  }
0x3b: {  	s16 =	sadd.s32 s17, s16  }
0x3c: {  	s15 =	ssub.s32 s15, s16  }
0x3d: {  	v2 =	vmov s15  }
0x3e: {  	v2 =	vsel vm0, s16, v2  }
0x3f: {  	[tilespmem:$0x4980] =	vst v2  }
0x40: {  	[hbm4b:s5+s2] =	stream.linear.scatter [tilespmem:s12], [sflag:$0x1], $0x80, $0x38;
	[tilespmem:$0x4A00] =	vst v63  }
0x41: {  	_ =	swait.ge [sflag:s13], $0x80  }
0x42: {  	[sflag:s13] =	ssyncset.done $0x0  }
0x43: {  	[sflag:s13] =	ssyncadd.s32 $0xFFFFFF80  }
0x44: {  	[hbm4b:s6+s2] =	stream.linear.scatter [tilespmem:s10], [sflag:$0x1], $0x1870, $0x38;
	[tilespmem:$0x4A00] =	vst v63  }
0x45: {  	s14 =	sadd.s32 $0x1, s14;
	_ =	swait.ge [sflag:s13], $0x1870  }
0x46: {  	p1 =	sne.s32 s14, s8;
	[sflag:s13] =	ssyncset.done $0x0  }
.Ltmp2:
0x47: {  	[sflag:s13] =	ssyncadd.s32 $0xFFFFE790;
	(pc) =	sbr.rel @p1 .LBB2_1-.Ltmp2, $4  }
0x48: {  	[hbm4b:s7+s2] =	stream.linear.scatter [tilespmem:s11], [sflag:$0x1], $0x1870, $0x38;
	[tilespmem:$0x4A00] =	vst v63  }
0x49: {  	_ =	swait.ge [sflag:s13], $0x1870  }
0x4a: {  	[sflag:s13] =	ssyncset.done $0x0  }
0x4b: {  	[sflag:s13] =	ssyncadd.s32 $0xFFFFE790  }
0x4c: {  	_ =	sfence.sel $0x180000  }
0x4d: {  	[bflag:$0x0] =	sbarrier.arrive $0xFFFF  }
0x4e: {  	p0 =	sne.s32 s0, $0x0;
	_ =	strace $0x90000047  }
0x4f: {  	s0 =	sadd.s32 @!p0 $0x100000, s1;
	[bflag:$0x2] =	sbarrier.arrive $0xFFFF  }
0x50: {  	[sflag:s0] =	ssyncadd.tile.s32 @!p0 $0x1;
	_ =	shalt  }
.Lfunc_end2:
_tile_overlayer_lowered:
.L_overlay_start_2:
0x51: {  	(tag) =	ssettag $0x2  }
0x52: {  	s0 =	rddreg [dreg:$0x0];
	s2 =	stileid.u32  }
0x53: {  	s1 =	rddreg [dreg:$0x1];
	p0 =	sne.s32 s2, $0x0  }
0x54: {  	s3 =	rddreg [dreg:$0x2];
	[bflag:$0x3] =	sbarrier.arrive $0xFFFF;
	s2 =	simm.s32 @!p0 $0x1C01  }
0x55: {  	[timem:s3], [sflag:s2] =	dma.local @!p0 [hbm:s0], s1  }
0x56: {  	s0 =	simm.s32 @!p0 $0x1  }
0x57: {  	_ =	swait.ge @!p0 [sflag:s0], s1  }
0x58: {  	s1 =	ssub.s32 @!p0 $0x0, s1;
	[sflag:s0] =	ssyncset.done @!p0 $0x0  }
0x59: {  	[sflag:s0] =	ssyncadd.s32 @!p0 s1  }
0x5a: {  	[bflag:$0x3] =	sbarrier.arrive $0xFFFF  }
0x5b: {  	_ =	shalt  }

// kernel: kernel.8.cloned.1.call-start
scs
__scs_entry_jumppad:
0x0: {  	(pc) =	sbr.rel $0x88, $3  }
0x1: {  	(tag) =	ssettag $0x0;
	lr =	simm.s32 $0x1  }
0x2: {  	[smem:$0x3F9D] =	sst lr;
	_ =	strace $0xD0000000  }
0x3: {  	_ = 	snop  }
0x4: {  	_ = 	snop  }
0x5: {  	_ = 	snop  }
0x6: {  	_ = 	snop  }
0x7: {  	_ = 	snop  }
__scs_overlays_trampoline_lowered:
0x8: {  	[smem:$0x3FAC] =	sst s0  }
0x9: {  	[smem:$0x3FAD] =	sst s1  }
0xa: {  	[smem:$0x3FAE] =	sst s2  }
0xb: {  	[smem:$0x3FAF] =	sst s3  }
0xc: {  	[smem:$0x3FB0] =	sst s4  }
0xd: {  	[smem:$0x3FB1] =	sst s5  }
0xe: {  	[smem:$0x3FB2] =	sst s6  }
0xf: {  	[smem:$0x3FB3] =	sst s7  }
0x10: {  	[smem:$0x3FB4] =	sst s8  }
0x11: {  	[smem:$0x3FB5] =	sst s9;
	s0 =	simm.s32 @!p0 $0x0  }
0x12: {  	s1 =	sld [smem:$0x3F9B];
	s0 =	simm.s32 @p0 $0x1  }
0x13: {  	[smem:$0x3FB6] =	sst s0;
	s0 =	simm.s32 @!p1 $0x0  }
0x14: {  	s2 =	sld [smem:$0x3F9A];
	s0 =	simm.s32 @p1 $0x1  }
0x15: {  	[smem:$0x3FB7] =	sst s0;
	s0 =	simm.s32 @!p2 $0x0  }
0x16: {  	s3 =	sld [smem:$0x3FDB];
	s0 =	simm.s32 @p2 $0x1  }
0x17: {  	s4 =	simm.s32 $0x1BF5;
	[smem:$0x3FB9] =	sst s0  }
0x18: {  	s0 =	sld [smem:$0x3F9C];
	_ =	swait.ge [sflag:s4], $0x0  }
0x19: {  	s7 =	sld [smem:$0x3F9D]  }
0x1a: {  	s8 =	sadd.s32 $0xFFFFE003, lr  }
0x1b: {  	s9 =	sadd.s32 $0xFFFFFEF7, lr;
	s5 =	simm.s32 $0xFFFFFFFF;
	p2 =	slt.u32 s8, $0xFFFFF086  }
0x1c: {  	p1 =	slt.u32 s9, $0xF7A;
	s5 =	simm.s32 @!p2 $0x0  }
0x1d: {  	s5 =	simm.s32 @p1 $0x1;
	p0 =	seq.s32 s7, s2  }
0x1e: {  	s7 =	smul.u32 @!p0 $0xF7A, s2;
	p2 =	seq.s32 @!p0 s5, $0x0  }
0x1f: {  	s9 =	smul.u32 $0xF7A, s1;
	s8 =	simm.s32 @!p0 $0x1BF5;
	p2 =	por !p2, p0  }
0x20: {  	[sflag:s8] =	ssyncset.s32 @!p0 $0xFFFFF086;
	s6 =	sadd.s32 @!p0 s3, s7;
	s7 =	simm.s32 @!p0 $0x108  }
0x21: {  	s3 =	sadd.s32 s3, s9;
	s6 =	sadd.s32 @!p0 $0x88, s6;
	s7 =	simm.s32 @p2 $0x1082  }
0x22: {  	[simem:s7], [sflag:s8] =	dma.local @!p0 [hbm:s6], $0xF7A  }
0x23: {  	s9 =	sor.u32 $0xD0000000, s2;
	s6 =	simm.s32 $0x108;
	_ =	swait.ge @!p0 [sflag:s8], $0x0  }
0x24: {  	s3 =	sadd.s32 $0x88, s3;
	s6 =	simm.s32 @!p1 $0x1082;
	[sflag:s4] =	ssyncset.s32 $0xFFFFF086  }
0x25: {  	[simem:s6], [sflag:s4] =	dma.local [hbm:s3], $0xF7A  }
0x26: {  	[smem:$0x3F9D] =	sst s1;
	(tag) =	ssettag s2;
	_ =	strace s9  }
0x27: {  	s1 =	sld [smem:$0x3FAD]  }
0x28: {  	s2 =	sld [smem:$0x3FAE]  }
0x29: {  	s4 =	sld [smem:$0x3FB0]  }
0x2a: {  	p0 =	seq.s32 s5, $0x0;
	s5 =	sld [smem:$0x3FB1]  }
0x2b: {  	s6 =	sld [smem:$0x3FB2]  }
0x2c: {  	s7 =	sld [smem:$0x3FB3]  }
0x2d: {  	s3 =	simm.s32 $0x108;
	s8 =	sld [smem:$0x3FB4]  }
0x2e: {  	s3 =	simm.s32 @!p0 $0x1082;
	s9 =	sld [smem:$0x3FB5]  }
0x2f: {  	lr =	sadd.s32 s0, s3;
	s0 =	sld [smem:$0x3FAC]  }
0x30: {  	s3 =	sld [smem:$0x3FAF]  }
0x31: {  	[smem:$0x3FB8] =	sst s10  }
0x32: {  	s10 =	sld [smem:$0x3FB6];
	_ =	sdelay $0x3  }
0x33: {  	p0 =	seq.s32 s10, $0x1;
	s10 =	sld [smem:$0x3FB8];
	_ =	sdelay $0x3  }
0x34: {  	[smem:$0x3FB8] =	sst s10  }
0x35: {  	s10 =	sld [smem:$0x3FB7];
	_ =	sdelay $0x3  }
0x36: {  	p1 =	seq.s32 s10, $0x1;
	s10 =	sld [smem:$0x3FB8];
	_ =	sdelay $0x3  }
0x37: {  	[smem:$0x3FB8] =	sst s10  }
0x38: {  	s10 =	sld [smem:$0x3FB9]  }
0x39: {  	_ = 	snop;
	(pc) =	sbr.ind lr, $3  }
0x3a: {  	_ = 	snop  }
0x3b: {  	_ = 	snop  }
0x3c: {  	p2 =	seq.s32 s10, $0x1;
	s10 =	sld [smem:$0x3FB8]  }
0x3d: {  	_ =	shalt  }
0x3e: {  	_ =	shalt  }
0x3f: {  	_ =	shalt  }
0x40: {  	_ =	shalt  }
0x41: {  	_ =	shalt  }
0x42: {  	_ =	shalt  }
0x43: {  	_ =	shalt  }
0x44: {  	_ =	shalt  }
0x45: {  	_ =	shalt  }
0x46: {  	_ =	shalt  }
0x47: {  	_ =	shalt  }
0x48: {  	_ =	shalt  }
0x49: {  	_ =	shalt  }
0x4a: {  	_ =	shalt  }
0x4b: {  	_ =	shalt  }
0x4c: {  	_ =	shalt  }
0x4d: {  	_ =	shalt  }
0x4e: {  	_ =	shalt  }
0x4f: {  	_ =	shalt  }
0x50: {  	_ =	shalt  }
0x51: {  	_ =	shalt  }
0x52: {  	_ =	shalt  }
0x53: {  	_ =	shalt  }
0x54: {  	_ =	shalt  }
0x55: {  	_ =	shalt  }
0x56: {  	_ =	shalt  }
0x57: {  	_ =	shalt  }
0x58: {  	_ =	shalt  }
0x59: {  	_ =	shalt  }
0x5a: {  	_ =	shalt  }
0x5b: {  	_ =	shalt  }
0x5c: {  	_ =	shalt  }
0x5d: {  	_ =	shalt  }
0x5e: {  	_ =	shalt  }
0x5f: {  	_ =	shalt  }
0x60: {  	_ =	shalt  }
0x61: {  	_ =	shalt  }
0x62: {  	_ =	shalt  }
0x63: {  	_ =	shalt  }
0x64: {  	_ =	shalt  }
0x65: {  	_ =	shalt  }
0x66: {  	_ =	shalt  }
0x67: {  	_ =	shalt  }
0x68: {  	_ =	shalt  }
0x69: {  	_ =	shalt  }
0x6a: {  	_ =	shalt  }
0x6b: {  	_ =	shalt  }
0x6c: {  	_ =	shalt  }
0x6d: {  	_ =	shalt  }
0x6e: {  	_ =	shalt  }
0x6f: {  	_ =	shalt  }
0x70: {  	_ =	shalt  }
0x71: {  	_ =	shalt  }
0x72: {  	_ =	shalt  }
0x73: {  	_ =	shalt  }
0x74: {  	_ =	shalt  }
0x75: {  	_ =	shalt  }
0x76: {  	_ =	shalt  }
0x77: {  	_ =	shalt  }
0x78: {  	_ =	shalt  }
0x79: {  	_ =	shalt  }
0x7a: {  	_ =	shalt  }
0x7b: {  	_ =	shalt  }
0x7c: {  	_ =	shalt  }
0x7d: {  	_ =	shalt  }
0x7e: {  	_ =	shalt  }
0x7f: {  	_ =	shalt  }
0x80: {  	_ =	shalt  }
0x81: {  	_ =	shalt  }
0x82: {  	_ =	shalt  }
0x83: {  	_ =	shalt  }
0x84: {  	_ =	shalt  }
0x85: {  	_ =	shalt  }
0x86: {  	_ =	shalt  }
0x87: {  	_ =	shalt  }
.Lfunc_end0:
.L_simem_size_0:
called_computation.1_lowered:
.L_overlay_start_0:
0x88: {  	s2 =	sld [smem:$0x3FD9]  }
0x89: {  	s3 =	sld [smem:$0x3FFE];
	_ =	sdelay $0x1  }
0x8a: {  	s1 =	srdreg.scid  }
0x8b: {  	s0 =	sand.u32 $0x1, s1  }
0x8c: {  	s17 =	sshll.u32 s0, $0xA;
	s2 =	sadd.s32 s3, s2  }
0x8d: {  	s2 =	sadd.s32 s2, s17  }
0x8e: {  	[smem:$0x3FC4] =	sst s2  }
0x8f: {  	_ = 	snop  }
0x90: {  	s2 =	sld [smem:$0x3FC6];
	(tm) =	ssettm $0x1  }
0x91: {  	s18 =	sld [smem:$0x3FFB];
	_ =	sdelay $0x3  }
0x92: {  	_ =	strace s18  }
0x93: {  	s3 =	sld [smem:$0x3FFC];
	_ =	sdelay $0x3  }
0x94: {  	_ =	strace s3  }
0x95: {  	s3 =	sld [smem:$0x3FFD];
	_ =	sdelay $0x3  }
0x96: {  	_ =	strace s3  }
0x97: {  	_ =	strace $0x8FFFFFFF  }
0x98: {  	s19 =	sld [smem:$0x3FDB];
	_ =	sdelay $0x1  }
0x99: {  	s4 =	simm.s32 $_scs_section_size  }
0x9a: {  	s5 =	simm.s32 $_size__tile_overlayer_lowered;
	s6 =	simm.s32 $_tile_overlayer_lowered  }
0x9b: {  	s22 =	simm.s32 $0x1BFF;
	s21 =	sshll.u32 s6, $0x1;
	s3 =	sadd.s32 s4, s19  }
0x9c: {  	s7 =	simm.s32 $0x0;
	s20 =	sshll.u32 s5, $0x1;
	s5 =	sadd.s32 s21, s3  }
0x9d: {  	[timem:s7], [sflag:s22] =	dma.local [hbm:s5], s20  }
0x9e: {  	_ =	swait.ge [sflag:s22], s20  }
0x9f: {  	s4 =	ssub.s32 $0x0, s20;
	[sflag:s22] =	ssyncset.done $0x0  }
0xa0: {  	[sflag:s22] =	ssyncadd.s32 s4;
	_ =	sdelay $0x1  }
0xa1: {  	s23 =	simm.s32 $0x1B8B  }
0xa2: {  	_ =	swait.ge [sflag:s23], $0x1  }
0xa3: {  	[sflag:s23] =	ssyncset.done $0x0  }
0xa4: {  	s25 =	simm.s32 $0x1B8E;
	s24 =	sld [smem:$0x3FFE];
	[sflag:s23] =	ssyncadd.s32 $0xFFFFFFFF  }
0xa5: {  	s26 =	simm.s32 $execute0_lowered;
	[smem:$0x3FD2] =	sst s25  }
0xa6: {  	s5 =	sshll.u32 s26, $0x1;
	_ =	strace $0x80000049;
	[dreg:$0x1] =	wrdreg $0xFFFFFFFF  }
0xa7: {  	s28 =	simm.s32 $_size_execute0_lowered;
	s3 =	sadd.s32 s3, s5;
	[dreg:$0x0] =	wrdreg $0x0  }
0xa8: {  	s5 =	sshll.u32 s28, $0x1;
	[dreg:$0x2] =	wrdreg s3  }
0xa9: {  	[dreg:$0x3] =	wrdreg s5  }
0xaa: {  	[dreg:$0x4] =	wrdreg $0xC0  }
0xab: {  	_ =	task [dreg:s7], $0x5FFFF  }
0xac: {  	[dreg:$0x1] =	wrdreg $0xFFFFFFFF  }
0xad: {  	[dreg:$0x0] =	wrdreg $0x60  }
0xae: {  	[dreg:$0x2] =	wrdreg s24  }
0xaf: {  	[dreg:$0x3] =	wrdreg s2  }
0xb0: {  	[dreg:$0x4] =	wrdreg $0x3000  }
0xb1: {  	[dreg:$0x5] =	wrdreg $0x9  }
0xb2: {  	_ =	task.clear_ibuf [dreg:s7], $0x6FFFF;
	_ =	strace $0x90000049  }
0xb3: {  	s29 =	simm.s32 $0x9;
	_ =	strace $0x8000004B  }
0xb4: {  	_ =	swait.ge [sflag:s29], $0x1  }
0xb5: {  	[sflag:s29] =	ssyncadd.s32 $0xFFFFFFFF  }
0xb6: {  	_ =	strace $0x9000004B  }
0xb7: {  	_ =	sfence  }
0xb8: {  	s30 =	sld [smem:$0x0];
	_ =	sdelay $0x2  }
0xb9: {  	s31 =	sshll.u32 s1, $0xD;
	s1 =	sshrl.u32 s1, $0x2  }
0xba: {  	s3 =	sand.u32 $0x4000, s31;
	s1 =	sadd.s32 s1, s30  }
0xbb: {  	s0 =	sor.u32 s3, s0;
	s1 =	sshll.u32 s1, $0x11  }
0xbc: {  	s0 =	sor.u32 s1, s0  }
0xbd: {  	s0 =	sadd.s32 $0x8F2B, s0  }
0xbe: {  	[sflag:s0] =	ssyncadd.remote.s32 $0x1  }
0xbf: {  	_ =	sfence.sel $0xFFFF  }
0xc0: {  	[dreg:$0x0] =	wrdreg $0xFFFFFFFF;
	(pc) =	sbr.abs _section_cstart, $3  }
0xc1: {  	[dreg:$0x1] =	wrdreg $0xFFFFFFFF  }
0xc2: {  	_ =	task.clear_ibuf [dreg:s7], $0x2FFFF;
	_ =	strace $0x9FFFFFFF  }
0xc3: {  	(tm) =	ssettm $0x7FFFFFFF  }
tec
execute0_lowered:
.L_overlay_start_1:
0x0: {  	(tag) =	ssettag $0x1  }
0x1: {  	s1 =	srdreg.scid  }
0x2: {  	s1 =	sand.u32 $0x1, s1  }
0x3: {  	p0 =	seq.s32 s1, $0x1  }
.Ltmp0:
0x4: {  	s2 =	rddreg [dreg:$0x0];
	(pc) =	sbr.rel @p0 .LBB2_37-.Ltmp0, $4  }
0x5: {  	s4 =	rddreg [dreg:$0x1]  }
0x6: {  	s3 =	rddreg [dreg:$0x2];
	s5 =	simm.s32 $0x0  }
0x7: {  	[smem:$0x7FF] =	sst s5  }
0x8: {  	s0 =	rddreg [dreg:$0x3];
	_ =	strace $0x8000004A;
	s1 =	stileid.u32  }
0x9: {  	p0 =	sgt.u32 s1, $0x1  }
.Ltmp1:
0xa: {  	_ = 	snop;
	(pc) =	sbr.rel @p0 .LBB2_3-.Ltmp1, $1  }
0xb: {  	_ =	sdelay $0x3  }
0xc: {  	s5 =	sshll.u32 s1, $0x4  }
0xd: {  	s7 =	simm.s32 $0x0;
	s28 =	simm.s32 $0x2;
	s6 =	sadd.s32 s2, s5  }
0xe: {  	[tilespmem:s7], [sflag:$0x2] =	stream.linear.gather [hbm4b:s6+s7], $0x80, $0x38;
	[tilespmem:$0x310] =	vst v63  }
0xf: {  	_ =	swait.ge [sflag:s28], $0x80  }
0x10: {  	[sflag:s28] =	ssyncset.done $0x0  }
0x11: {  	s8 =	simm.s32 $0x80;
	s6 =	sadd.s32 $0x49A00, s6;
	[sflag:s28] =	ssyncadd.s32 $0xFFFFFF80  }
0x12: {  	[tilespmem:s8], [sflag:$0x2] =	stream.linear.gather [hbm4b:s6+s7], $0x80, $0x38;
	[tilespmem:$0x310] =	vst v63  }
0x13: {  	_ =	swait.ge [sflag:s28], $0x80  }
0x14: {  	s9 =	sadd.s32 $0x200, s2;
	[sflag:s28] =	ssyncset.done $0x0  }
0x15: {  	s29 =	simm.s32 $0x100;
	s30 =	simm.s32 $0x1;
	[sflag:s28] =	ssyncadd.s32 $0xFFFFFF80  }
0x16: {  	[tilespmem:s29], [sflag:$0x1] =	stream.indirect.gather [hbm4b:s9+s8], $0x1, s7, s8, $0xb8;
	[tilespmem:$0x310] =	vst v63  }
0x17: {  	_ =	swait.ge [sflag:s30], $0x80  }
0x18: {  	[sflag:s30] =	ssyncset.done $0x0  }
0x19: {  	[sflag:s30] =	ssyncadd.s32 $0xFFFFFF80  }
0x1a: {  	v0 =	vld [tilespmem:$0x100]  }
0x1b: {  	v1 =	vld [tilespmem:$0x80]  }
0x1c: {  	v2 =	vld [tilespmem:$0x110]  }
0x1d: {  	v3 =	vld [tilespmem:$0x90]  }
0x1e: {  	v4 =	vld [tilespmem:$0x120]  }
0x1f: {  	v5 =	vld [tilespmem:$0xA0]  }
0x20: {  	v6 =	vld [tilespmem:$0x130]  }
0x21: {  	v7 =	vld [tilespmem:$0xB0]  }
0x22: {  	v8 =	vld [tilespmem:$0x140]  }
0x23: {  	v52 =	vld [tilespmem:$0xC0]  }
0x24: {  	v9 =	vld [tilespmem:$0x150]  }
0x25: {  	v54 =	vld [tilespmem:$0xD0]  }
0x26: {  	v10 =	vld [tilespmem:$0x160]  }
0x27: {  	v56 =	vld [tilespmem:$0x170]  }
0x28: {  	vm0 =	vgt.s32 v0, $0x0;
	vm14 =	vgt.s32 v2, $0x0;
	vm1 =	veq.s32 v1, $0x0  }
0x29: {  	vm15 =	vgt.s32 v4, $0x0;
	vm4 =	veq.s32 v3, $0x0;
	vm5 =	vgt.s32 v6, $0x0  }
0x2a: {  	vm6 =	veq.s32 v5, $0x0;
	vm7 =	veq.s32 v7, $0x0;
	vm8 =	vgt.s32 v8, $0x0  }
0x2b: {  	vm9 =	veq.s32 v52, $0x0;
	vm10 =	vgt.s32 v9, $0x0;
	vm11 =	veq.s32 v54, $0x0  }
0x2c: {  	vm12 =	vgt.s32 v10, $0x0;
	vm13 =	vgt.s32 v56, $0x0;
	v0 =	vnsel vm0, $0x0, v0  }
0x2d: {  	v51 =	vnsel vm14, $0x0, v2;
	v53 =	vnsel vm15, $0x0, v4;
	v0 =	vmin.u32 v0, $0x30D3F  }
0x2e: {  	v57 =	vld [tilespmem:$0xE0];
	v6 =	vnsel vm5, $0x0, v6;
	v1 =	vmin.u32 v51, $0x30D3F;
	v0 =	vsel vm1, $0x0, v0  }
0x2f: {  	v59 =	vld [tilespmem:$0xF0];
	v58 =	vnsel vm8, $0x0, v8;
	v3 =	vmin.u32 v53, $0x30D3F;
	v1 =	vsel vm4, $0x0, v1;
	[tilespmem:$0x100] =	vst v0  }
0x30: {  	v60 =	vnsel vm10, $0x0, v9;
	v55 =	vmin.u32 v6, $0x30D3F;
	v3 =	vsel vm6, $0x0, v3;
	[tilespmem:$0x110] =	vst v1  }
0x31: {  	v61 =	vnsel vm12, $0x0, v10;
	v5 =	vsel vm7, $0x0, v55;
	v0 =	vmin.u32 v58, $0x30D3F;
	[tilespmem:$0x120] =	vst v3  }
0x32: {  	v62 =	vnsel vm13, $0x0, v56;
	v1 =	vmin.u32 v60, $0x30D3F;
	[tilespmem:$0x130] =	vst v5;
	v0 =	vsel vm9, $0x0, v0  }
0x33: {  	vm14 =	veq.s32 v57, $0x0;
	v3 =	vmin.u32 v61, $0x30D3F;
	v1 =	vsel vm11, $0x0, v1;
	[tilespmem:$0x140] =	vst v0  }
0x34: {  	vm15 =	veq.s32 v59, $0x0;
	v63 =	vsel vm14, $0x0, v3;
	[tilespmem:$0x150] =	vst v1;
	v0 =	vmin.u32 v62, $0x30D3F  }
0x35: {  	s31 =	sshll.u32 s1, $0x7;
	[tilespmem:$0x160] =	vst v63;
	v0 =	vsel vm15, $0x0, v0  }
0x36: {  	s7 =	sadd.s32 s31, s3;
	[tilespmem:$0x170] =	vst v0  }
0x37: {  	[spmem:s7] =	stream.linear.scatter [tilespmem:s29], [sflag:$0x2], $0x80, $0x38;
	[tilespmem:$0x310] =	vst v63  }
0x38: {  	_ =	swait.ge [sflag:s28], $0x80  }
0x39: {  	[sflag:s28] =	ssyncset.done $0x0  }
0x3a: {  	[sflag:s28] =	ssyncadd.s32 $0xFFFFFF80  }
.LBB2_3:
0x3b: {  	p0 =	sgt.s32 s1, $0x6  }
.Ltmp2:
0x3c: {  	_ = 	snop;
	(pc) =	sbr.rel @p0 .LBB2_16-.Ltmp2, $2  }
0x3d: {  	_ =	sdelay $0x1  }
0x3e: {  	[bflag:$0x0] =	sbarrier.arrive $0xFFFF;
	_ =	sdelay $0x1  }
0x3f: {  	p0 =	sgt.s32 s1, $0x2  }
.Ltmp3:
0x40: {  	_ = 	snop;
	(pc) =	sbr.rel @!p0 .LBB2_5-.Ltmp3, $2  }
0x41: {  	_ =	sdelay $0x2  }
0x42: {  	s5 =	sadd.s32 $0x12800, s2;
	s6 =	sadd.s32 $0x80, s3  }
0x43: {  	p0 =	sgt.s32 s1, $0x4  }
.Ltmp4:
0x44: {  	_ = 	snop;
	(pc) =	sbr.rel @p0 .LBB2_13-.Ltmp4, $2  }
0x45: {  	_ =	sdelay $0x2  }
0x46: {  	s4 =	sadd.s32 $0xC600, s2  }
0x47: {  	p0 =	seq.s32 s1, $0x3  }
.Ltmp5:
0x48: {  	_ = 	snop;
	(pc) =	sbr.rel @p0 .LBB2_30-.Ltmp5, $1  }
0x49: {  	_ =	sdelay $0x3  }
0x4a: {  	p0 =	seq.s32 s1, $0x4  }
.Ltmp6:
0x4b: {  	_ = 	snop;
	(pc) =	sbr.rel @!p0 .LBB2_37-.Ltmp6, $1  }
0x4c: {  	_ =	sdelay $0x3  }
0x4d: {  	s5 =	simm.s32 $0x180;
	s28 =	simm.s32 $0x2  }
0x4e: {  	[tilespmem:s5], [sflag:$0x2] =	stream.linear.gather [spmem:s3], $0x80, $0x38;
	[tilespmem:$0x310] =	vst v63  }
0x4f: {  	_ =	swait.ge [sflag:s28], $0x80  }
0x50: {  	[sflag:s28] =	ssyncset.done $0x0  }
0x51: {  	s29 =	simm.s32 $0x80;
	s6 =	simm.s32 $0x280;
	[sflag:s28] =	ssyncadd.s32 $0xFFFFFF80  }
0x52: {  	[tilespmem:s6], [sflag:$0x1] =	stream.indirect.gather [hbm4b:s4+s29], $0x1, s5, s29, $0xb8;
	[tilespmem:$0x310] =	vst v63  }
.Ltmp7:
0x53: {  	s30 =	simm.s32 $0x1;
	(pc) =	sbr.rel .LBB2_36-.Ltmp7, $4  }
0x54: {  	_ =	swait.ge [sflag:s30], $0x80  }
0x55: {  	[sflag:s30] =	ssyncset.done $0x0  }
0x56: {  	s2 =	sadd.s32 $0x49C20, s2;
	s31 =	simm.s32 $0x0;
	[sflag:s30] =	ssyncadd.s32 $0xFFFFFF80  }
0x57: {  	[hbm4b:s2+s31] =	stream.linear.scatter [tilespmem:s6], [sflag:$0x2], $0x80, $0x38;
	[tilespmem:$0x310] =	vst v63  }
.LBB2_16:
0x58: {  	p0 =	sgt.s32 s1, $0x9  }
.Ltmp8:
0x59: {  	_ = 	snop;
	(pc) =	sbr.rel @!p0 .LBB2_17-.Ltmp8, $1  }
0x5a: {  	_ =	sdelay $0x3  }
0x5b: {  	p0 =	sgt.s32 s1, $0xB  }
.Ltmp9:
0x5c: {  	_ = 	snop;
	(pc) =	sbr.rel @p0 .LBB2_25-.Ltmp9, $1  }
0x5d: {  	_ =	sdelay $0x3  }
0x5e: {  	p0 =	seq.s32 s1, $0xA  }
.Ltmp10:
0x5f: {  	_ = 	snop;
	(pc) =	sbr.rel @p0 .LBB2_34-.Ltmp10, $1  }
0x60: {  	_ =	sdelay $0x3  }
0x61: {  	p0 =	seq.s32 s1, $0xB  }
.Ltmp11:
0x62: {  	_ = 	snop;
	(pc) =	sbr.rel @!p0 .LBB2_37-.Ltmp11, $1  }
0x63: {  	_ =	sdelay $0x3  }
0x64: {  	s4 =	simm.s32 $0x180;
	s26 =	simm.s32 $0x2  }
0x65: {  	[tilespmem:s4], [sflag:$0x2] =	stream.linear.gather [spmem:s3], $0x80, $0x38;
	[tilespmem:$0x310] =	vst v63  }
0x66: {  	_ =	swait.ge [sflag:s26], $0x80  }
0x67: {  	s5 =	sadd.s32 $0x24E00, s2;
	[sflag:s26] =	ssyncset.done $0x0  }
0x68: {  	s28 =	simm.s32 $0x80;
	s6 =	simm.s32 $0x280;
	[sflag:s26] =	ssyncadd.s32 $0xFFFFFF80  }
0x69: {  	[tilespmem:s6], [sflag:$0x1] =	stream.indirect.gather [hbm4b:s5+s28], $0x1, s4, s28, $0xb8;
	[tilespmem:$0x310] =	vst v63  }
.Ltmp12:
0x6a: {  	s29 =	simm.s32 $0x1;
	(pc) =	sbr.rel .LBB2_36-.Ltmp12, $4  }
0x6b: {  	_ =	swait.ge [sflag:s29], $0x80  }
0x6c: {  	[sflag:s29] =	ssyncset.done $0x0  }
0x6d: {  	s30 =	sadd.s32 $0x4A010, s2;
	s31 =	simm.s32 $0x0;
	[sflag:s29] =	ssyncadd.s32 $0xFFFFFF80  }
0x6e: {  	[hbm4b:s30+s31] =	stream.linear.scatter [tilespmem:s6], [sflag:$0x2], $0x80, $0x38;
	[tilespmem:$0x310] =	vst v63  }
.LBB2_5:
0x6f: {  	p0 =	seq.s32 s1, $0x0  }
.Ltmp13:
0x70: {  	_ = 	snop;
	(pc) =	sbr.rel @p0 .LBB2_28-.Ltmp13, $1  }
0x71: {  	_ =	sdelay $0x3  }
0x72: {  	p0 =	seq.s32 s1, $0x1  }
.Ltmp14:
0x73: {  	_ = 	snop;
	(pc) =	sbr.rel @p0 .LBB2_29-.Ltmp14, $1  }
0x74: {  	_ =	sdelay $0x3  }
0x75: {  	p0 =	seq.s32 s1, $0x2  }
.Ltmp15:
0x76: {  	_ = 	snop;
	(pc) =	sbr.rel @!p0 .LBB2_37-.Ltmp15, $1  }
0x77: {  	_ =	sdelay $0x3  }
0x78: {  	s4 =	simm.s32 $0x180;
	s28 =	simm.s32 $0x2  }
0x79: {  	[tilespmem:s4], [sflag:$0x2] =	stream.linear.gather [spmem:s3], $0x80, $0x38;
	[tilespmem:$0x310] =	vst v63  }
0x7a: {  	_ =	swait.ge [sflag:s28], $0x80  }
0x7b: {  	[sflag:s28] =	ssyncset.done $0x0  }
0x7c: {  	s29 =	simm.s32 $0x80;
	s6 =	simm.s32 $0x280;
	[sflag:s28] =	ssyncadd.s32 $0xFFFFFF80  }
0x7d: {  	[tilespmem:s6], [sflag:$0x1] =	stream.indirect.gather [hbm4b:s5+s29], $0x1, s4, s29, $0xb8;
	[tilespmem:$0x310] =	vst v63  }
.Ltmp16:
0x7e: {  	s30 =	simm.s32 $0x1;
	(pc) =	sbr.rel .LBB2_36-.Ltmp16, $4  }
0x7f: {  	_ =	swait.ge [sflag:s30], $0x80  }
0x80: {  	[sflag:s30] =	ssyncset.done $0x0  }
0x81: {  	s2 =	sadd.s32 $0x49C00, s2;
	s31 =	simm.s32 $0x0;
	[sflag:s30] =	ssyncadd.s32 $0xFFFFFF80  }
0x82: {  	[hbm4b:s2+s31] =	stream.linear.scatter [tilespmem:s6], [sflag:$0x2], $0x80, $0x38;
	[tilespmem:$0x310] =	vst v63  }
.LBB2_17:
0x83: {  	p0 =	seq.s32 s1, $0x7  }
.Ltmp17:
0x84: {  	_ = 	snop;
	(pc) =	sbr.rel @p0 .LBB2_32-.Ltmp17, $1  }
0x85: {  	_ =	sdelay $0x3  }
0x86: {  	p0 =	seq.s32 s1, $0x8  }
.Ltmp18:
0x87: {  	_ = 	snop;
	(pc) =	sbr.rel @p0 .LBB2_33-.Ltmp18, $1  }
0x88: {  	_ =	sdelay $0x3  }
0x89: {  	p0 =	seq.s32 s1, $0x9  }
.Ltmp19:
0x8a: {  	_ = 	snop;
	(pc) =	sbr.rel @!p0 .LBB2_37-.Ltmp19, $1  }
0x8b: {  	_ =	sdelay $0x3  }
0x8c: {  	s4 =	simm.s32 $0x180;
	s26 =	simm.s32 $0x2  }
0x8d: {  	[tilespmem:s4], [sflag:$0x2] =	stream.linear.gather [spmem:s3], $0x80, $0x38;
	[tilespmem:$0x310] =	vst v63  }
0x8e: {  	_ =	swait.ge [sflag:s26], $0x80  }
0x8f: {  	s5 =	sadd.s32 $0x43800, s2;
	[sflag:s26] =	ssyncset.done $0x0  }
0x90: {  	s28 =	simm.s32 $0x80;
	s6 =	simm.s32 $0x280;
	[sflag:s26] =	ssyncadd.s32 $0xFFFFFF80  }
0x91: {  	[tilespmem:s6], [sflag:$0x1] =	stream.indirect.gather [hbm4b:s5+s28], $0x1, s4, s28, $0xb8;
	[tilespmem:$0x310] =	vst v63  }
.Ltmp20:
0x92: {  	s29 =	simm.s32 $0x1;
	(pc) =	sbr.rel .LBB2_36-.Ltmp20, $4  }
0x93: {  	_ =	swait.ge [sflag:s29], $0x80  }
0x94: {  	[sflag:s29] =	ssyncset.done $0x0  }
0x95: {  	s30 =	sadd.s32 $0x49E30, s2;
	s31 =	simm.s32 $0x0;
	[sflag:s29] =	ssyncadd.s32 $0xFFFFFF80  }
0x96: {  	[hbm4b:s30+s31] =	stream.linear.scatter [tilespmem:s6], [sflag:$0x2], $0x80, $0x38;
	[tilespmem:$0x310] =	vst v63  }
.LBB2_13:
0x97: {  	p0 =	seq.s32 s1, $0x5  }
.Ltmp21:
0x98: {  	_ = 	snop;
	(pc) =	sbr.rel @p0 .LBB2_31-.Ltmp21, $1  }
0x99: {  	_ =	sdelay $0x3  }
0x9a: {  	p0 =	seq.s32 s1, $0x6  }
.Ltmp22:
0x9b: {  	_ = 	snop;
	(pc) =	sbr.rel @!p0 .LBB2_37-.Ltmp22, $1  }
0x9c: {  	_ =	sdelay $0x3  }
0x9d: {  	s4 =	simm.s32 $0x180;
	s26 =	simm.s32 $0x2  }
0x9e: {  	[tilespmem:s4], [sflag:$0x2] =	stream.linear.gather [spmem:s3], $0x80, $0x38;
	[tilespmem:$0x310] =	vst v63  }
0x9f: {  	_ =	swait.ge [sflag:s26], $0x80  }
0xa0: {  	s5 =	sadd.s32 $0x31200, s2;
	[sflag:s26] =	ssyncset.done $0x0  }
0xa1: {  	s28 =	simm.s32 $0x80;
	s6 =	simm.s32 $0x280;
	[sflag:s26] =	ssyncadd.s32 $0xFFFFFF80  }
0xa2: {  	[tilespmem:s6], [sflag:$0x1] =	stream.indirect.gather [hbm4b:s5+s28], $0x1, s4, s28, $0xb8;
	[tilespmem:$0x310] =	vst v63  }
.Ltmp23:
0xa3: {  	s29 =	simm.s32 $0x1;
	(pc) =	sbr.rel .LBB2_36-.Ltmp23, $4  }
0xa4: {  	_ =	swait.ge [sflag:s29], $0x80  }
0xa5: {  	[sflag:s29] =	ssyncset.done $0x0  }
0xa6: {  	s30 =	sadd.s32 $0x49E00, s2;
	s31 =	simm.s32 $0x0;
	[sflag:s29] =	ssyncadd.s32 $0xFFFFFF80  }
0xa7: {  	[hbm4b:s30+s31] =	stream.linear.scatter [tilespmem:s6], [sflag:$0x2], $0x80, $0x38;
	[tilespmem:$0x310] =	vst v63  }
.LBB2_25:
0xa8: {  	p0 =	seq.s32 s1, $0xC  }
.Ltmp24:
0xa9: {  	_ = 	snop;
	(pc) =	sbr.rel @p0 .LBB2_35-.Ltmp24, $1  }
0xaa: {  	_ =	sdelay $0x3  }
0xab: {  	p0 =	seq.s32 s1, $0xD  }
.Ltmp25:
0xac: {  	_ = 	snop;
	(pc) =	sbr.rel @!p0 .LBB2_37-.Ltmp25, $1  }
0xad: {  	_ =	sdelay $0x3  }
0xae: {  	s4 =	simm.s32 $0x180;
	s26 =	simm.s32 $0x2  }
0xaf: {  	[tilespmem:s4], [sflag:$0x2] =	stream.linear.gather [spmem:s3], $0x80, $0x38;
	[tilespmem:$0x310] =	vst v63  }
0xb0: {  	_ =	swait.ge [sflag:s26], $0x80  }
0xb1: {  	s5 =	sadd.s32 $0x18A00, s2;
	[sflag:s26] =	ssyncset.done $0x0  }
0xb2: {  	s28 =	simm.s32 $0x80;
	s6 =	simm.s32 $0x280;
	[sflag:s26] =	ssyncadd.s32 $0xFFFFFF80  }
0xb3: {  	[tilespmem:s6], [sflag:$0x1] =	stream.indirect.gather [hbm4b:s5+s28], $0x1, s4, s28, $0xb8;
	[tilespmem:$0x310] =	vst v63  }
.Ltmp26:
0xb4: {  	s29 =	simm.s32 $0x1;
	(pc) =	sbr.rel .LBB2_36-.Ltmp26, $4  }
0xb5: {  	_ =	swait.ge [sflag:s29], $0x80  }
0xb6: {  	[sflag:s29] =	ssyncset.done $0x0  }
0xb7: {  	s30 =	sadd.s32 $0x4A030, s2;
	s31 =	simm.s32 $0x0;
	[sflag:s29] =	ssyncadd.s32 $0xFFFFFF80  }
0xb8: {  	[hbm4b:s30+s31] =	stream.linear.scatter [tilespmem:s6], [sflag:$0x2], $0x80, $0x38;
	[tilespmem:$0x310] =	vst v63  }
.LBB2_30:
0xb9: {  	s3 =	simm.s32 $0x180;
	s4 =	simm.s32 $0x2  }
0xba: {  	[tilespmem:s3], [sflag:$0x2] =	stream.linear.gather [spmem:s6], $0x80, $0x38;
	[tilespmem:$0x310] =	vst v63  }
0xbb: {  	_ =	swait.ge [sflag:s4], $0x80  }
0xbc: {  	[sflag:s4] =	ssyncset.done $0x0  }
0xbd: {  	s28 =	simm.s32 $0x80;
	s29 =	simm.s32 $0x280;
	[sflag:s4] =	ssyncadd.s32 $0xFFFFFF80  }
0xbe: {  	[tilespmem:s29], [sflag:$0x1] =	stream.indirect.gather [hbm4b:s5+s28], $0x1, s3, s28, $0xb8;
	[tilespmem:$0x310] =	vst v63  }
.Ltmp27:
0xbf: {  	s30 =	simm.s32 $0x1;
	(pc) =	sbr.rel .LBB2_36-.Ltmp27, $4  }
0xc0: {  	_ =	swait.ge [sflag:s30], $0x80  }
0xc1: {  	[sflag:s30] =	ssyncset.done $0x0  }
0xc2: {  	s2 =	sadd.s32 $0x49C10, s2;
	s31 =	simm.s32 $0x0;
	[sflag:s30] =	ssyncadd.s32 $0xFFFFFF80  }
0xc3: {  	[hbm4b:s2+s31] =	stream.linear.scatter [tilespmem:s29], [sflag:$0x2], $0x80, $0x38;
	[tilespmem:$0x310] =	vst v63  }
.LBB2_34:
0xc4: {  	s4 =	simm.s32 $0x180;
	s26 =	simm.s32 $0x2  }
0xc5: {  	[tilespmem:s4], [sflag:$0x2] =	stream.linear.gather [spmem:s3], $0x80, $0x38;
	[tilespmem:$0x310] =	vst v63  }
0xc6: {  	_ =	swait.ge [sflag:s26], $0x80  }
0xc7: {  	s5 =	sadd.s32 $0x2B000, s2;
	[sflag:s26] =	ssyncset.done $0x0  }
0xc8: {  	s28 =	simm.s32 $0x80;
	s6 =	simm.s32 $0x280;
	[sflag:s26] =	ssyncadd.s32 $0xFFFFFF80  }
0xc9: {  	[tilespmem:s6], [sflag:$0x1] =	stream.indirect.gather [hbm4b:s5+s28], $0x1, s4, s28, $0xb8;
	[tilespmem:$0x310] =	vst v63  }
.Ltmp28:
0xca: {  	s29 =	simm.s32 $0x1;
	(pc) =	sbr.rel .LBB2_36-.Ltmp28, $4  }
0xcb: {  	_ =	swait.ge [sflag:s29], $0x80  }
0xcc: {  	[sflag:s29] =	ssyncset.done $0x0  }
0xcd: {  	s30 =	sadd.s32 $0x4A000, s2;
	s31 =	simm.s32 $0x0;
	[sflag:s29] =	ssyncadd.s32 $0xFFFFFF80  }
0xce: {  	[hbm4b:s30+s31] =	stream.linear.scatter [tilespmem:s6], [sflag:$0x2], $0x80, $0x38;
	[tilespmem:$0x310] =	vst v63  }
.LBB2_31:
0xcf: {  	s3 =	simm.s32 $0x180;
	s5 =	simm.s32 $0x2  }
0xd0: {  	[tilespmem:s3], [sflag:$0x2] =	stream.linear.gather [spmem:s6], $0x80, $0x38;
	[tilespmem:$0x310] =	vst v63  }
0xd1: {  	_ =	swait.ge [sflag:s5], $0x80  }
0xd2: {  	[sflag:s5] =	ssyncset.done $0x0  }
0xd3: {  	s28 =	simm.s32 $0x80;
	s29 =	simm.s32 $0x280;
	[sflag:s5] =	ssyncadd.s32 $0xFFFFFF80  }
0xd4: {  	[tilespmem:s29], [sflag:$0x1] =	stream.indirect.gather [hbm4b:s4+s28], $0x1, s3, s28, $0xb8;
	[tilespmem:$0x310] =	vst v63  }
.Ltmp29:
0xd5: {  	s30 =	simm.s32 $0x1;
	(pc) =	sbr.rel .LBB2_36-.Ltmp29, $4  }
0xd6: {  	_ =	swait.ge [sflag:s30], $0x80  }
0xd7: {  	[sflag:s30] =	ssyncset.done $0x0  }
0xd8: {  	s2 =	sadd.s32 $0x49C30, s2;
	s31 =	simm.s32 $0x0;
	[sflag:s30] =	ssyncadd.s32 $0xFFFFFF80  }
0xd9: {  	[hbm4b:s2+s31] =	stream.linear.scatter [tilespmem:s29], [sflag:$0x2], $0x80, $0x38;
	[tilespmem:$0x310] =	vst v63  }
.LBB2_35:
0xda: {  	s4 =	simm.s32 $0x180;
	s26 =	simm.s32 $0x2  }
0xdb: {  	[tilespmem:s4], [sflag:$0x2] =	stream.linear.gather [spmem:s3], $0x80, $0x38;
	[tilespmem:$0x310] =	vst v63  }
0xdc: {  	_ =	swait.ge [sflag:s26], $0x80  }
0xdd: {  	s5 =	sadd.s32 $0x1EC00, s2;
	[sflag:s26] =	ssyncset.done $0x0  }
0xde: {  	s28 =	simm.s32 $0x80;
	s6 =	simm.s32 $0x280;
	[sflag:s26] =	ssyncadd.s32 $0xFFFFFF80  }
0xdf: {  	[tilespmem:s6], [sflag:$0x1] =	stream.indirect.gather [hbm4b:s5+s28], $0x1, s4, s28, $0xb8;
	[tilespmem:$0x310] =	vst v63  }
.Ltmp30:
0xe0: {  	s29 =	simm.s32 $0x1;
	(pc) =	sbr.rel .LBB2_36-.Ltmp30, $4  }
0xe1: {  	_ =	swait.ge [sflag:s29], $0x80  }
0xe2: {  	[sflag:s29] =	ssyncset.done $0x0  }
0xe3: {  	s30 =	sadd.s32 $0x4A020, s2;
	s31 =	simm.s32 $0x0;
	[sflag:s29] =	ssyncadd.s32 $0xFFFFFF80  }
0xe4: {  	[hbm4b:s30+s31] =	stream.linear.scatter [tilespmem:s6], [sflag:$0x2], $0x80, $0x38;
	[tilespmem:$0x310] =	vst v63  }
.LBB2_28:
0xe5: {  	s5 =	simm.s32 $0x180;
	s28 =	simm.s32 $0x2  }
0xe6: {  	[tilespmem:s5], [sflag:$0x2] =	stream.linear.gather [spmem:s3], $0x80, $0x38;
	[tilespmem:$0x310] =	vst v63  }
0xe7: {  	_ =	swait.ge [sflag:s28], $0x80  }
0xe8: {  	[sflag:s28] =	ssyncset.done $0x0  }
0xe9: {  	s29 =	simm.s32 $0x80;
	s6 =	simm.s32 $0x200;
	[sflag:s28] =	ssyncadd.s32 $0xFFFFFF80  }
0xea: {  	[tilespmem:s6], [sflag:$0x1] =	stream.indirect.gather [hbm4b:s4+s29], $0x1, s5, s29, $0xb8;
	[tilespmem:$0x310] =	vst v63  }
.Ltmp31:
0xeb: {  	s30 =	simm.s32 $0x1;
	(pc) =	sbr.rel .LBB2_36-.Ltmp31, $4  }
0xec: {  	_ =	swait.ge [sflag:s30], $0x80  }
0xed: {  	[sflag:s30] =	ssyncset.done $0x0  }
0xee: {  	s2 =	sadd.s32 $0x4A200, s2;
	s31 =	simm.s32 $0x0;
	[sflag:s30] =	ssyncadd.s32 $0xFFFFFF80  }
0xef: {  	[hbm4b:s2+s31] =	stream.linear.scatter [tilespmem:s6], [sflag:$0x2], $0x80, $0x38;
	[tilespmem:$0x310] =	vst v63  }
.LBB2_32:
0xf0: {  	s4 =	simm.s32 $0x180;
	s26 =	simm.s32 $0x2  }
0xf1: {  	[tilespmem:s4], [sflag:$0x2] =	stream.linear.gather [spmem:s3], $0x80, $0x38;
	[tilespmem:$0x310] =	vst v63  }
0xf2: {  	_ =	swait.ge [sflag:s26], $0x80  }
0xf3: {  	s5 =	sadd.s32 $0x37400, s2;
	[sflag:s26] =	ssyncset.done $0x0  }
0xf4: {  	s28 =	simm.s32 $0x80;
	s6 =	simm.s32 $0x280;
	[sflag:s26] =	ssyncadd.s32 $0xFFFFFF80  }
0xf5: {  	[tilespmem:s6], [sflag:$0x1] =	stream.indirect.gather [hbm4b:s5+s28], $0x1, s4, s28, $0xb8;
	[tilespmem:$0x310] =	vst v63  }
.Ltmp32:
0xf6: {  	s29 =	simm.s32 $0x1;
	(pc) =	sbr.rel .LBB2_36-.Ltmp32, $4  }
0xf7: {  	_ =	swait.ge [sflag:s29], $0x80  }
0xf8: {  	[sflag:s29] =	ssyncset.done $0x0  }
0xf9: {  	s30 =	sadd.s32 $0x49E10, s2;
	s31 =	simm.s32 $0x0;
	[sflag:s29] =	ssyncadd.s32 $0xFFFFFF80  }
0xfa: {  	[hbm4b:s30+s31] =	stream.linear.scatter [tilespmem:s6], [sflag:$0x2], $0x80, $0x38;
	[tilespmem:$0x310] =	vst v63  }
.LBB2_29:
0xfb: {  	s3 =	simm.s32 $0x180;
	s5 =	simm.s32 $0x2  }
0xfc: {  	[tilespmem:s3], [sflag:$0x2] =	stream.linear.gather [spmem:s6], $0x80, $0x38;
	[tilespmem:$0x310] =	vst v63  }
0xfd: {  	_ =	swait.ge [sflag:s5], $0x80  }
0xfe: {  	[sflag:s5] =	ssyncset.done $0x0  }
0xff: {  	s28 =	simm.s32 $0x80;
	s29 =	simm.s32 $0x200;
	[sflag:s5] =	ssyncadd.s32 $0xFFFFFF80  }
0x100: {  	[tilespmem:s29], [sflag:$0x1] =	stream.indirect.gather [hbm4b:s4+s28], $0x1, s3, s28, $0xb8;
	[tilespmem:$0x310] =	vst v63  }
.Ltmp33:
0x101: {  	s30 =	simm.s32 $0x1;
	(pc) =	sbr.rel .LBB2_36-.Ltmp33, $4  }
0x102: {  	_ =	swait.ge [sflag:s30], $0x80  }
0x103: {  	[sflag:s30] =	ssyncset.done $0x0  }
0x104: {  	s2 =	sadd.s32 $0x4A210, s2;
	s31 =	simm.s32 $0x0;
	[sflag:s30] =	ssyncadd.s32 $0xFFFFFF80  }
0x105: {  	[hbm4b:s2+s31] =	stream.linear.scatter [tilespmem:s29], [sflag:$0x2], $0x80, $0x38;
	[tilespmem:$0x310] =	vst v63  }
.LBB2_33:
0x106: {  	s4 =	simm.s32 $0x180;
	s26 =	simm.s32 $0x2  }
0x107: {  	[tilespmem:s4], [sflag:$0x2] =	stream.linear.gather [spmem:s3], $0x80, $0x38;
	[tilespmem:$0x310] =	vst v63  }
0x108: {  	_ =	swait.ge [sflag:s26], $0x80  }
0x109: {  	s5 =	sadd.s32 $0x3D600, s2;
	s28 =	simm.s32 $0x80;
	[sflag:s26] =	ssyncset.done $0x0  }
0x10a: {  	s6 =	simm.s32 $0x280;
	s29 =	simm.s32 $0x1;
	[sflag:s26] =	ssyncadd.s32 $0xFFFFFF80  }
0x10b: {  	[tilespmem:s6], [sflag:$0x1] =	stream.indirect.gather [hbm4b:s5+s28], $0x1, s4, s28, $0xb8;
	[tilespmem:$0x310] =	vst v63  }
0x10c: {  	_ =	swait.ge [sflag:s29], $0x80  }
0x10d: {  	[sflag:s29] =	ssyncset.done $0x0  }
0x10e: {  	s30 =	sadd.s32 $0x49E20, s2;
	s31 =	simm.s32 $0x0;
	[sflag:s29] =	ssyncadd.s32 $0xFFFFFF80  }
0x10f: {  	[hbm4b:s30+s31] =	stream.linear.scatter [tilespmem:s6], [sflag:$0x2], $0x80, $0x38;
	[tilespmem:$0x310] =	vst v63  }
.LBB2_36:
0x110: {  	s2 =	simm.s32 $0x2  }
0x111: {  	_ =	swait.ge [sflag:s2], $0x80  }
0x112: {  	[sflag:s2] =	ssyncset.done $0x0  }
0x113: {  	[sflag:s2] =	ssyncadd.s32 $0xFFFFFF80  }
.LBB2_37:
0x114: {  	_ =	sfence.sel $0x180000  }
0x115: {  	[bflag:$0x0] =	sbarrier.arrive $0xFFFF  }
0x116: {  	p0 =	sne.s32 s1, $0x0;
	_ =	strace $0x9000004A  }
0x117: {  	s0 =	sadd.s32 @!p0 $0x100000, s0;
	[bflag:$0x2] =	sbarrier.arrive $0xFFFF  }
0x118: {  	[sflag:s0] =	ssyncadd.tile.s32 @!p0 $0x1;
	_ =	shalt  }
.Lfunc_end2:
_tile_overlayer_lowered:
.L_overlay_start_2:
0x119: {  	(tag) =	ssettag $0x2  }
0x11a: {  	s0 =	rddreg [dreg:$0x0];
	s2 =	stileid.u32  }
0x11b: {  	s1 =	rddreg [dreg:$0x1];
	p0 =	sne.s32 s2, $0x0  }
0x11c: {  	s3 =	rddreg [dreg:$0x2];
	[bflag:$0x3] =	sbarrier.arrive $0xFFFF;
	s2 =	simm.s32 @!p0 $0x1C02  }
0x11d: {  	[timem:s3], [sflag:s2] =	dma.local @!p0 [hbm:s0], s1  }
0x11e: {  	s0 =	simm.s32 @!p0 $0x2  }
0x11f: {  	_ =	swait.ge @!p0 [sflag:s0], s1  }
0x120: {  	s1 =	ssub.s32 @!p0 $0x0, s1;
	[sflag:s0] =	ssyncset.done @!p0 $0x0  }
0x121: {  	[sflag:s0] =	ssyncadd.s32 @!p0 s1  }
0x122: {  	[bflag:$0x3] =	sbarrier.arrive $0xFFFF  }
0x123: {  	_ =	shalt  }

</sc_bundles>
